<compile_context>
chip_gen: v7x
topology: tpu7x:2x2x1
jax: 0.10.2.dev20260603
libtpu: 0.0.44.dev20260713+nightly
codegen_flags: <defaults>
</compile_context>

<pallas_src>
import jax
import jax.numpy as jnp
from jax import lax
from jax.experimental import pallas as pl
from jax.experimental.pallas import tpu as pltpu
from jax.experimental.pallas import tpu_sc as plsc

B = 16384
D = 128
NC = 2
NS = 16
NW = NC * NS
CH = 128
SLICES = (8192, 8192)


def _fuse_math(semb, aemb, wa_ref, ba_ref, fw_ref, bf_ref):
    w1 = fw_ref[:D, :]
    w2 = fw_ref[D:, :]
    m = jnp.dot(wa_ref[...], w2, preferred_element_type=jnp.float32)
    c = jnp.dot(ba_ref[...], w2, preferred_element_type=jnp.float32) + bf_ref[...]
    return (
        jnp.dot(semb, w1, preferred_element_type=jnp.float32)
        + jnp.dot(aemb, m, preferred_element_type=jnp.float32)
        + c
    )


def _fuse_body(semb_ref, aemb_ref, wa_ref, ba_ref, fw_ref, bf_ref, out_ref):
    out_ref[...] = _fuse_math(semb_ref[...], aemb_ref[...], wa_ref, ba_ref,
                              fw_ref, bf_ref)


def _fuse_body_aliased(prev_ref, semb_ref, aemb_ref, wa_ref, ba_ref, fw_ref,
                       bf_ref, out_ref):
    del prev_ref
    out_ref[...] = _fuse_math(semb_ref[...], aemb_ref[...], wa_ref, ba_ref,
                              fw_ref, bf_ref)


def _make_sc_gather(row0, nch):
    bpw = nch * CH

    def _sc_gather(node_hbm, attr_hbm, stab_hbm, atab_hbm, semb_hbm, aemb_hbm,
                   nidx_v, aidx_v, srow0, srow1, arow0, arow1, atab_sh,
                   sem_s0, sem_s1, sem_a0, sem_a1, sem_t0, sem_t1):
        wid = lax.axis_index("s") * NC + lax.axis_index("c")
        sid = lax.axis_index("s")
        base = wid * bpw
        srow = (srow0, srow1)
        arow = (arow0, arow1)
        sem_s = (sem_s0, sem_s1)
        sem_a = (sem_a0, sem_a1)
        sem_t = (sem_t0, sem_t1)
        @pl.when(sid == 0)
        def _stage():
            pltpu.sync_copy(atab_hbm, atab_sh)

        r = row0 + wid * nch
        pltpu.sync_copy(node_hbm.at[pl.ds(r, nch)], nidx_v)
        pltpu.sync_copy(attr_hbm.at[pl.ds(r, nch)], aidx_v)
        plsc.subcore_barrier()
        copies = [None, None]
        stores = [None, None]
        for j in range(nch + 1):
            if j < nch:
                s = j % 2
                if stores[s] is not None:
                    stores[s][0].wait()
                    stores[s][1].wait()
                    stores[s] = None
                cs = pltpu.async_copy(stab_hbm.at[nidx_v.at[j]], srow[s], sem_s[s])
                ca = pltpu.async_copy(atab_sh.at[aidx_v.at[j]], arow[s], sem_a[s])
                copies[s] = (cs, ca)
            if j >= 1:
                p = (j - 1) % 2
                cs, ca = copies[p]
                cs.wait()
                ca.wait()
                off = base + (j - 1) * CH
                st1 = pltpu.async_copy(srow[p], semb_hbm.at[pl.ds(off, CH)], sem_t[p])
                st2 = pltpu.async_copy(arow[p], aemb_hbm.at[pl.ds(off, CH)], sem_t[p])
                stores[p] = (st1, st2)
        for sp in stores:
            if sp is not None:
                sp[0].wait()
                sp[1].wait()

    return _sc_gather


def kernel(node_ids, attrs, struct_table, attr_table, attr_fc_w, attr_fc_b, fusion_w, fusion_b):
    mesh = plsc.VectorSubcoreMesh(core_axis_name="c", subcore_axis_name="s",
                                  num_cores=NC, num_subcores=NS)
    node2d = node_ids.reshape(B // CH, CH)
    attr2d = attrs.reshape(B // CH, CH)

    def scratch(nch):
        return [
            pltpu.VMEM((nch, CH), jnp.int32),
            pltpu.VMEM((nch, CH), jnp.int32),
            pltpu.VMEM((CH, D), jnp.float32),
            pltpu.VMEM((CH, D), jnp.float32),
            pltpu.VMEM((CH, D), jnp.float32),
            pltpu.VMEM((CH, D), jnp.float32),
            pltpu.VMEM_SHARED((1001, D), jnp.float32),
            pltpu.SemaphoreType.DMA,
            pltpu.SemaphoreType.DMA,
            pltpu.SemaphoreType.DMA,
            pltpu.SemaphoreType.DMA,
            pltpu.SemaphoreType.DMA,
            pltpu.SemaphoreType.DMA,
        ]

    slices = []
    off = 0
    for bh in SLICES:
        nch = bh // NW // CH
        slices.append((off, bh,
                       pl.kernel(
                           _make_sc_gather(off // CH, nch),
                           out_type=[
                               jax.ShapeDtypeStruct((bh, D), jnp.float32),
                               jax.ShapeDtypeStruct((bh, D), jnp.float32),
                           ],
                           mesh=mesh,
                           scratch_types=scratch(nch),
                       )(node2d, attr2d, struct_table, attr_table)))
        off += bh

    ba2 = attr_fc_b.reshape(1, D)
    bf2 = fusion_b.reshape(1, D)
    out = None
    for k, (off, bh, (semb_h, aemb_h)) in enumerate(slices):
        BLK = min(4096, bh // 2)
        nblk = bh // BLK
        blk0 = off // BLK
        if k == 0:
            out = pl.pallas_call(
                _fuse_body,
                grid=(nblk,),
                in_specs=[
                    pl.BlockSpec((BLK, D), lambda i: (i, 0)),
                    pl.BlockSpec((BLK, D), lambda i: (i, 0)),
                    pl.BlockSpec((D, D), lambda i: (0, 0)),
                    pl.BlockSpec((1, D), lambda i: (0, 0)),
                    pl.BlockSpec((2 * D, D), lambda i: (0, 0)),
                    pl.BlockSpec((1, D), lambda i: (0, 0)),
                ],
                out_specs=pl.BlockSpec((BLK, D), lambda i: (i, 0)),
                out_shape=jax.ShapeDtypeStruct((B, D), jnp.float32),
            )(semb_h, aemb_h, attr_fc_w, ba2, fusion_w, bf2)
        else:
            out = pl.pallas_call(
                _fuse_body_aliased,
                grid=(nblk,),
                in_specs=[
                    pl.BlockSpec(memory_space=pltpu.MemorySpace.HBM),
                    pl.BlockSpec((BLK, D), lambda i: (i, 0)),
                    pl.BlockSpec((BLK, D), lambda i: (i, 0)),
                    pl.BlockSpec((D, D), lambda i: (0, 0)),
                    pl.BlockSpec((1, D), lambda i: (0, 0)),
                    pl.BlockSpec((2 * D, D), lambda i: (0, 0)),
                    pl.BlockSpec((1, D), lambda i: (0, 0)),
                ],
                out_specs=pl.BlockSpec((BLK, D),
                                       lambda i, blk0=blk0: (i + blk0, 0)),
                out_shape=jax.ShapeDtypeStruct((B, D), jnp.float32),
                input_output_aliases={0: 0},
            )(out, semb_h, aemb_h, attr_fc_w, ba2, fusion_w, bf2)
    return out

# --- scband reference (transcript-rebuilt; emitter-appended) ---
"""Pipeline reference for scband-attributed-graph-embedding-56573309223270 (READ-ONLY COPY).

The authoritative reference and input builder live on the scoring server;
editing this copy changes nothing except your own understanding.
"""

import jax, jax.numpy as jnp
import numpy as np

NUM_NODES = 100000
NUM_ATTRS = 1000
EMBED_DIM = 128
HIDDEN_DIM = 128
BATCH = 16384


def setup_inputs(seed: int = 0) -> dict:
    key = jax.random.key(seed)
    k = jax.random.split(key, 8)
    node_ids = jax.random.randint(k[0], (BATCH,), 0, NUM_NODES, dtype=jnp.int64 if jax.config.read('jax_enable_x64') else jnp.int32)
    attrs = jax.random.randint(k[1], (BATCH,), 0, NUM_ATTRS + 1, dtype=jnp.int64 if jax.config.read('jax_enable_x64') else jnp.int32)
    struct_table = jax.random.normal(k[2], (NUM_NODES, EMBED_DIM), dtype=jnp.float32)
    attr_table = jax.random.normal(k[3], (NUM_ATTRS + 1, EMBED_DIM), dtype=jnp.float32)
    attr_fc_w = jax.random.normal(k[4], (EMBED_DIM, HIDDEN_DIM), dtype=jnp.float32) * (1.0 / np.sqrt(EMBED_DIM))
    attr_fc_b = jnp.zeros((HIDDEN_DIM,), dtype=jnp.float32)
    fusion_w = jax.random.normal(k[5], (HIDDEN_DIM + EMBED_DIM, EMBED_DIM), dtype=jnp.float32) * (1.0 / np.sqrt(HIDDEN_DIM + EMBED_DIM))
    fusion_b = jnp.zeros((EMBED_DIM,), dtype=jnp.float32)
    return {
        'node_ids': node_ids,
        'attrs': attrs,
        'struct_table': struct_table,
        'attr_table': attr_table,
        'attr_fc_w': attr_fc_w,
        'attr_fc_b': attr_fc_b,
        'fusion_w': fusion_w,
        'fusion_b': fusion_b,
    }


def reference(node_ids, attrs, struct_table, attr_table, attr_fc_w, attr_fc_b, fusion_w, fusion_b):
    # struct_emb = nn.Embedding(num_nodes, embedding_dim)(node_ids)
    struct_emb = jnp.take(struct_table, node_ids, axis=0)
    # attr_emb = nn.Embedding(num_attrs + 1, embedding_dim)(attrs)
    attr_emb = jnp.take(attr_table, attrs, axis=0)
    # attr_feat = Linear(embedding_dim, hidden_dim)(attr_emb)
    attr_feat = attr_emb @ attr_fc_w + attr_fc_b
    # combined = cat([struct_emb, attr_feat], dim=-1); out = Linear(hidden+embed, embed)(combined)
    combined = jnp.concatenate([struct_emb, attr_feat], axis=-1)
    out = combined @ fusion_w + fusion_b
    return out

if __name__ == "__main__":
    import jax
    _d = setup_inputs()
    print(jax.jit(kernel)(*tuple(_d.values())))

</pallas_src>

<mosaic_0001>
#map = affine_map<(d0, d1) -> (0, 0)>
module attributes {stable_mosaic.version = 14 : i64} {
  func.func @_sc_gather(%arg0: i32, %arg1: i32, %arg2: memref<128x128xi32, #tpu.memory_space<hbm>>, %arg3: memref<128x128xi32, #tpu.memory_space<hbm>>, %arg4: memref<100000x128xf32, #tpu.memory_space<hbm>>, %arg5: memref<1001x128xf32, #tpu.memory_space<hbm>>, %arg6: memref<8192x128xf32, #tpu.memory_space<hbm>>, %arg7: memref<8192x128xf32, #tpu.memory_space<hbm>>, %arg8: memref<2x128xi32, #tpu.memory_space<vmem>>, %arg9: memref<2x128xi32, #tpu.memory_space<vmem>>, %arg10: memref<128x128xf32, #tpu.memory_space<vmem>>, %arg11: memref<128x128xf32, #tpu.memory_space<vmem>>, %arg12: memref<128x128xf32, #tpu.memory_space<vmem>>, %arg13: memref<128x128xf32, #tpu.memory_space<vmem>>, %arg14: memref<1001x128xf32, #tpu.memory_space<vmem_shared>>, %arg15: memref<!tpu.dma_semaphore, #tpu.memory_space<semaphore_mem>>, %arg16: memref<!tpu.dma_semaphore, #tpu.memory_space<semaphore_mem>>, %arg17: memref<!tpu.dma_semaphore, #tpu.memory_space<semaphore_mem>>, %arg18: memref<!tpu.dma_semaphore, #tpu.memory_space<semaphore_mem>>, %arg19: memref<!tpu.dma_semaphore, #tpu.memory_space<semaphore_mem>>, %arg20: memref<!tpu.dma_semaphore, #tpu.memory_space<semaphore_mem>>) attributes {dimension_semantics = [#tpu.dimension_semantics<core_parallel>, #tpu.dimension_semantics<subcore_parallel>], iteration_bounds = array<i64: 2, 16>, scalar_prefetch = 0 : i64, scratch_operands = 13 : i64, tpu.core_type = #tpu.core_type<sc_vector_subcore>, window_params = [{transform_indices = #map}, {transform_indices = #map}, {transform_indices = #map}, {transform_indices = #map}, {transform_indices = #map}, {transform_indices = #map}]} {
    %mul3A = arith.constant 2 : i32
    %mul3A_0 = arith.muli %arg1, %mul3A : i32
    %add3A = arith.addi %mul3A_0, %arg0 : i32
    %mul3A_1 = arith.constant 256 : i32
    %mul3A_2 = arith.muli %add3A, %mul3A_1 : i32
    %eq3A = arith.constant 0 : i32
    %eq3A_3 = arith.cmpi eq, %arg1, %eq3A : i32
    %convert_element_type3A = arith.extui %eq3A_3 : i1 to i32
    %cond3A = arith.constant 0 : i32
    %cond3A_4 = arith.cmpi ne, %convert_element_type3A, %cond3A : i32
    scf.if %cond3A_4 {
      "tpu.region"() ({
        %run_scoped3A = tpu.sem_alloc : memref<!tpu.dma_semaphore, #tpu.memory_space<semaphore_mem>>
        tpu.enqueue_dma source(%arg5 : memref<1001x128xf32, #tpu.memory_space<hbm>>) target(%arg14 : memref<1001x128xf32, #tpu.memory_space<vmem_shared>>) target_semaphore(%run_scoped3A : memref<!tpu.dma_semaphore, #tpu.memory_space<semaphore_mem>>)
        tpu.wait_dma2 semaphore(%run_scoped3A : memref<!tpu.dma_semaphore, #tpu.memory_space<semaphore_mem>>) src(%arg5 : memref<1001x128xf32, #tpu.memory_space<hbm>>) dst(%arg14 : memref<1001x128xf32, #tpu.memory_space<vmem_shared>>)
        tpu.yield
      }) : () -> ()
    } else {
    }
    %mul3A_5 = arith.constant 2 : i32
    %mul3A_6 = arith.muli %add3A, %mul3A_5 : i32
    %add3A_7 = arith.constant 0 : i32
    %add3A_8 = arith.addi %add3A_7, %mul3A_6 : i32
    "tpu.region"() ({
      %run_scoped3A = tpu.sem_alloc : memref<!tpu.dma_semaphore, #tpu.memory_space<semaphore_mem>>
      %dma_start3A_99 = arith.constant 0 : i32
      %dma_start3A_100 = tpu.memref_slice %arg2[%add3A_8, %dma_start3A_99] : memref<128x128xi32, #tpu.memory_space<hbm>> -> memref<2x128xi32, #tpu.memory_space<hbm>>
      %dma_start3A_101 = arith.constant 0 : i32
      %dma_start3A_102 = tpu.memref_slice %arg2[%add3A_8, %dma_start3A_101] : memref<128x128xi32, #tpu.memory_space<hbm>> -> memref<2x128xi32, #tpu.memory_space<hbm>>
      tpu.enqueue_dma source(%dma_start3A_102 : memref<2x128xi32, #tpu.memory_space<hbm>>) target(%arg8 : memref<2x128xi32, #tpu.memory_space<vmem>>) target_semaphore(%run_scoped3A : memref<!tpu.dma_semaphore, #tpu.memory_space<semaphore_mem>>)
      %dma_wait3A_103 = arith.constant 0 : i32
      %dma_wait3A_104 = tpu.memref_slice %arg2[%add3A_8, %dma_wait3A_103] : memref<128x128xi32, #tpu.memory_space<hbm>> -> memref<2x128xi32, #tpu.memory_space<hbm>>
      %dma_wait3A_105 = arith.constant 0 : i32
      %dma_wait3A_106 = tpu.memref_slice %arg2[%add3A_8, %dma_wait3A_105] : memref<128x128xi32, #tpu.memory_space<hbm>> -> memref<2x128xi32, #tpu.memory_space<hbm>>
      tpu.wait_dma2 semaphore(%run_scoped3A : memref<!tpu.dma_semaphore, #tpu.memory_space<semaphore_mem>>) src(%dma_wait3A_106 : memref<2x128xi32, #tpu.memory_space<hbm>>) dst(%arg8 : memref<2x128xi32, #tpu.memory_space<vmem>>)
      tpu.yield
    }) : () -> ()
    "tpu.region"() ({
      %run_scoped3A = tpu.sem_alloc : memref<!tpu.dma_semaphore, #tpu.memory_space<semaphore_mem>>
      %dma_start3A_99 = arith.constant 0 : i32
      %dma_start3A_100 = tpu.memref_slice %arg3[%add3A_8, %dma_start3A_99] : memref<128x128xi32, #tpu.memory_space<hbm>> -> memref<2x128xi32, #tpu.memory_space<hbm>>
      %dma_start3A_101 = arith.constant 0 : i32
      %dma_start3A_102 = tpu.memref_slice %arg3[%add3A_8, %dma_start3A_101] : memref<128x128xi32, #tpu.memory_space<hbm>> -> memref<2x128xi32, #tpu.memory_space<hbm>>
      tpu.enqueue_dma source(%dma_start3A_102 : memref<2x128xi32, #tpu.memory_space<hbm>>) target(%arg9 : memref<2x128xi32, #tpu.memory_space<vmem>>) target_semaphore(%run_scoped3A : memref<!tpu.dma_semaphore, #tpu.memory_space<semaphore_mem>>)
      %dma_wait3A_103 = arith.constant 0 : i32
      %dma_wait3A_104 = tpu.memref_slice %arg3[%add3A_8, %dma_wait3A_103] : memref<128x128xi32, #tpu.memory_space<hbm>> -> memref<2x128xi32, #tpu.memory_space<hbm>>
      %dma_wait3A_105 = arith.constant 0 : i32
      %dma_wait3A_106 = tpu.memref_slice %arg3[%add3A_8, %dma_wait3A_105] : memref<128x128xi32, #tpu.memory_space<hbm>> -> memref<2x128xi32, #tpu.memory_space<hbm>>
      tpu.wait_dma2 semaphore(%run_scoped3A : memref<!tpu.dma_semaphore, #tpu.memory_space<semaphore_mem>>) src(%dma_wait3A_106 : memref<2x128xi32, #tpu.memory_space<hbm>>) dst(%arg9 : memref<2x128xi32, #tpu.memory_space<vmem>>)
      tpu.yield
    }) : () -> ()
    %barrier3A = arith.constant 0 : index
    tpu.barrier barrier_id(%barrier3A)
    %dma_start3A = arith.constant 0 : i32
    %dma_start3A_9 = arith.constant 0 : i32
    %dma_start3A_10 = tpu.memref_slice %arg8[%dma_start3A, %dma_start3A_9] : memref<2x128xi32, #tpu.memory_space<vmem>> -> memref<1x128xi32, #tpu.memory_space<vmem>>
    %dma_start3A_11 = tpu.memref_squeeze %dma_start3A_10 : memref<1x128xi32, #tpu.memory_space<vmem>> -> memref<128xi32, #tpu.memory_space<vmem>>
    %dma_start3A_12 = arith.constant 0 : i32
    %dma_start3A_13 = arith.constant 0 : i32
    %dma_start3A_14 = tpu.memref_slice %arg4[%dma_start3A_12, %dma_start3A_13] : memref<100000x128xf32, #tpu.memory_space<hbm>> -> memref<100000x128xf32, #tpu.memory_space<hbm>>
    tpu.enqueue_indirect_dma source(%dma_start3A_14 : memref<100000x128xf32, #tpu.memory_space<hbm>>) target(%arg10 : memref<128x128xf32, #tpu.memory_space<vmem>>) offsets(%dma_start3A_11 : memref<128xi32, #tpu.memory_space<vmem>>) semaphore(%arg15 : memref<!tpu.dma_semaphore, #tpu.memory_space<semaphore_mem>>)
    %dma_start3A_15 = arith.constant 0 : i32
    %dma_start3A_16 = arith.constant 0 : i32
    %dma_start3A_17 = tpu.memref_slice %arg9[%dma_start3A_15, %dma_start3A_16] : memref<2x128xi32, #tpu.memory_space<vmem>> -> memref<1x128xi32, #tpu.memory_space<vmem>>
    %dma_start3A_18 = tpu.memref_squeeze %dma_start3A_17 : memref<1x128xi32, #tpu.memory_space<vmem>> -> memref<128xi32, #tpu.memory_space<vmem>>
    %dma_start3A_19 = arith.constant 0 : i32
    %dma_start3A_20 = arith.constant 0 : i32
    %dma_start3A_21 = tpu.memref_slice %arg14[%dma_start3A_19, %dma_start3A_20] : memref<1001x128xf32, #tpu.memory_space<vmem_shared>> -> memref<1001x128xf32, #tpu.memory_space<vmem_shared>>
    tpu.enqueue_indirect_dma source(%dma_start3A_21 : memref<1001x128xf32, #tpu.memory_space<vmem_shared>>) target(%arg12 : memref<128x128xf32, #tpu.memory_space<vmem>>) offsets(%dma_start3A_18 : memref<128xi32, #tpu.memory_space<vmem>>) semaphore(%arg17 : memref<!tpu.dma_semaphore, #tpu.memory_space<semaphore_mem>>)
    %dma_start3A_22 = arith.constant 1 : i32
    %dma_start3A_23 = arith.constant 0 : i32
    %dma_start3A_24 = tpu.memref_slice %arg8[%dma_start3A_22, %dma_start3A_23] : memref<2x128xi32, #tpu.memory_space<vmem>> -> memref<1x128xi32, #tpu.memory_space<vmem>>
    %dma_start3A_25 = tpu.memref_squeeze %dma_start3A_24 : memref<1x128xi32, #tpu.memory_space<vmem>> -> memref<128xi32, #tpu.memory_space<vmem>>
    %dma_start3A_26 = arith.constant 0 : i32
    %dma_start3A_27 = arith.constant 0 : i32
    %dma_start3A_28 = tpu.memref_slice %arg4[%dma_start3A_26, %dma_start3A_27] : memref<100000x128xf32, #tpu.memory_space<hbm>> -> memref<100000x128xf32, #tpu.memory_space<hbm>>
    tpu.enqueue_indirect_dma source(%dma_start3A_28 : memref<100000x128xf32, #tpu.memory_space<hbm>>) target(%arg11 : memref<128x128xf32, #tpu.memory_space<vmem>>) offsets(%dma_start3A_25 : memref<128xi32, #tpu.memory_space<vmem>>) semaphore(%arg16 : memref<!tpu.dma_semaphore, #tpu.memory_space<semaphore_mem>>)
    %dma_start3A_29 = arith.constant 1 : i32
    %dma_start3A_30 = arith.constant 0 : i32
    %dma_start3A_31 = tpu.memref_slice %arg9[%dma_start3A_29, %dma_start3A_30] : memref<2x128xi32, #tpu.memory_space<vmem>> -> memref<1x128xi32, #tpu.memory_space<vmem>>
    %dma_start3A_32 = tpu.memref_squeeze %dma_start3A_31 : memref<1x128xi32, #tpu.memory_space<vmem>> -> memref<128xi32, #tpu.memory_space<vmem>>
    %dma_start3A_33 = arith.constant 0 : i32
    %dma_start3A_34 = arith.constant 0 : i32
    %dma_start3A_35 = tpu.memref_slice %arg14[%dma_start3A_33, %dma_start3A_34] : memref<1001x128xf32, #tpu.memory_space<vmem_shared>> -> memref<1001x128xf32, #tpu.memory_space<vmem_shared>>
    tpu.enqueue_indirect_dma source(%dma_start3A_35 : memref<1001x128xf32, #tpu.memory_space<vmem_shared>>) target(%arg13 : memref<128x128xf32, #tpu.memory_space<vmem>>) offsets(%dma_start3A_32 : memref<128xi32, #tpu.memory_space<vmem>>) semaphore(%arg18 : memref<!tpu.dma_semaphore, #tpu.memory_space<semaphore_mem>>)
    %dma_wait3A = arith.constant 0 : i32
    %dma_wait3A_36 = arith.constant 0 : i32
    %dma_wait3A_37 = tpu.memref_slice %arg8[%dma_wait3A, %dma_wait3A_36] : memref<2x128xi32, #tpu.memory_space<vmem>> -> memref<1x128xi32, #tpu.memory_space<vmem>>
    %dma_wait3A_38 = tpu.memref_squeeze %dma_wait3A_37 : memref<1x128xi32, #tpu.memory_space<vmem>> -> memref<128xi32, #tpu.memory_space<vmem>>
    %dma_wait3A_39 = arith.constant 0 : i32
    %dma_wait3A_40 = arith.constant 0 : i32
    %dma_wait3A_41 = tpu.memref_slice %arg4[%dma_wait3A_39, %dma_wait3A_40] : memref<100000x128xf32, #tpu.memory_space<hbm>> -> memref<100000x128xf32, #tpu.memory_space<hbm>>
    tpu.wait_indirect_dma semaphore(%arg15 : memref<!tpu.dma_semaphore, #tpu.memory_space<semaphore_mem>>) src(%dma_wait3A_41 : memref<100000x128xf32, #tpu.memory_space<hbm>>) dst(%arg10 : memref<128x128xf32, #tpu.memory_space<vmem>>)
    %dma_wait3A_42 = arith.constant 0 : i32
    %dma_wait3A_43 = arith.constant 0 : i32
    %dma_wait3A_44 = tpu.memref_slice %arg9[%dma_wait3A_42, %dma_wait3A_43] : memref<2x128xi32, #tpu.memory_space<vmem>> -> memref<1x128xi32, #tpu.memory_space<vmem>>
    %dma_wait3A_45 = tpu.memref_squeeze %dma_wait3A_44 : memref<1x128xi32, #tpu.memory_space<vmem>> -> memref<128xi32, #tpu.memory_space<vmem>>
    %dma_wait3A_46 = arith.constant 0 : i32
    %dma_wait3A_47 = arith.constant 0 : i32
    %dma_wait3A_48 = tpu.memref_slice %arg14[%dma_wait3A_46, %dma_wait3A_47] : memref<1001x128xf32, #tpu.memory_space<vmem_shared>> -> memref<1001x128xf32, #tpu.memory_space<vmem_shared>>
    tpu.wait_indirect_dma semaphore(%arg17 : memref<!tpu.dma_semaphore, #tpu.memory_space<semaphore_mem>>) src(%dma_wait3A_48 : memref<1001x128xf32, #tpu.memory_space<vmem_shared>>) dst(%arg12 : memref<128x128xf32, #tpu.memory_space<vmem>>)
    %add3A_49 = arith.constant 0 : i32
    %add3A_50 = arith.addi %mul3A_2, %add3A_49 : i32
    %dma_start3A_51 = arith.constant 0 : i32
    %dma_start3A_52 = tpu.memref_slice %arg6[%add3A_50, %dma_start3A_51] : memref<8192x128xf32, #tpu.memory_space<hbm>> -> memref<128x128xf32, #tpu.memory_space<hbm>>
    %dma_start3A_53 = arith.constant 0 : i32
    %dma_start3A_54 = tpu.memref_slice %arg6[%add3A_50, %dma_start3A_53] : memref<8192x128xf32, #tpu.memory_space<hbm>> -> memref<128x128xf32, #tpu.memory_space<hbm>>
    tpu.enqueue_dma source(%arg10 : memref<128x128xf32, #tpu.memory_space<vmem>>) target(%dma_start3A_54 : memref<128x128xf32, #tpu.memory_space<hbm>>) target_semaphore(%arg19 : memref<!tpu.dma_semaphore, #tpu.memory_space<semaphore_mem>>)
    %dma_start3A_55 = arith.constant 0 : i32
    %dma_start3A_56 = tpu.memref_slice %arg7[%add3A_50, %dma_start3A_55] : memref<8192x128xf32, #tpu.memory_space<hbm>> -> memref<128x128xf32, #tpu.memory_space<hbm>>
    %dma_start3A_57 = arith.constant 0 : i32
    %dma_start3A_58 = tpu.memref_slice %arg7[%add3A_50, %dma_start3A_57] : memref<8192x128xf32, #tpu.memory_space<hbm>> -> memref<128x128xf32, #tpu.memory_space<hbm>>
    tpu.enqueue_dma source(%arg12 : memref<128x128xf32, #tpu.memory_space<vmem>>) target(%dma_start3A_58 : memref<128x128xf32, #tpu.memory_space<hbm>>) target_semaphore(%arg19 : memref<!tpu.dma_semaphore, #tpu.memory_space<semaphore_mem>>)
    %dma_wait3A_59 = arith.constant 1 : i32
    %dma_wait3A_60 = arith.constant 0 : i32
    %dma_wait3A_61 = tpu.memref_slice %arg8[%dma_wait3A_59, %dma_wait3A_60] : memref<2x128xi32, #tpu.memory_space<vmem>> -> memref<1x128xi32, #tpu.memory_space<vmem>>
    %dma_wait3A_62 = tpu.memref_squeeze %dma_wait3A_61 : memref<1x128xi32, #tpu.memory_space<vmem>> -> memref<128xi32, #tpu.memory_space<vmem>>
    %dma_wait3A_63 = arith.constant 0 : i32
    %dma_wait3A_64 = arith.constant 0 : i32
    %dma_wait3A_65 = tpu.memref_slice %arg4[%dma_wait3A_63, %dma_wait3A_64] : memref<100000x128xf32, #tpu.memory_space<hbm>> -> memref<100000x128xf32, #tpu.memory_space<hbm>>
    tpu.wait_indirect_dma semaphore(%arg16 : memref<!tpu.dma_semaphore, #tpu.memory_space<semaphore_mem>>) src(%dma_wait3A_65 : memref<100000x128xf32, #tpu.memory_space<hbm>>) dst(%arg11 : memref<128x128xf32, #tpu.memory_space<vmem>>)
    %dma_wait3A_66 = arith.constant 1 : i32
    %dma_wait3A_67 = arith.constant 0 : i32
    %dma_wait3A_68 = tpu.memref_slice %arg9[%dma_wait3A_66, %dma_wait3A_67] : memref<2x128xi32, #tpu.memory_space<vmem>> -> memref<1x128xi32, #tpu.memory_space<vmem>>
    %dma_wait3A_69 = tpu.memref_squeeze %dma_wait3A_68 : memref<1x128xi32, #tpu.memory_space<vmem>> -> memref<128xi32, #tpu.memory_space<vmem>>
    %dma_wait3A_70 = arith.constant 0 : i32
    %dma_wait3A_71 = arith.constant 0 : i32
    %dma_wait3A_72 = tpu.memref_slice %arg14[%dma_wait3A_70, %dma_wait3A_71] : memref<1001x128xf32, #tpu.memory_space<vmem_shared>> -> memref<1001x128xf32, #tpu.memory_space<vmem_shared>>
    tpu.wait_indirect_dma semaphore(%arg18 : memref<!tpu.dma_semaphore, #tpu.memory_space<semaphore_mem>>) src(%dma_wait3A_72 : memref<1001x128xf32, #tpu.memory_space<vmem_shared>>) dst(%arg13 : memref<128x128xf32, #tpu.memory_space<vmem>>)
    %add3A_73 = arith.constant 128 : i32
    %add3A_74 = arith.addi %mul3A_2, %add3A_73 : i32
    %dma_start3A_75 = arith.constant 0 : i32
    %dma_start3A_76 = tpu.memref_slice %arg6[%add3A_74, %dma_start3A_75] : memref<8192x128xf32, #tpu.memory_space<hbm>> -> memref<128x128xf32, #tpu.memory_space<hbm>>
    %dma_start3A_77 = arith.constant 0 : i32
    %dma_start3A_78 = tpu.memref_slice %arg6[%add3A_74, %dma_start3A_77] : memref<8192x128xf32, #tpu.memory_space<hbm>> -> memref<128x128xf32, #tpu.memory_space<hbm>>
    tpu.enqueue_dma source(%arg11 : memref<128x128xf32, #tpu.memory_space<vmem>>) target(%dma_start3A_78 : memref<128x128xf32, #tpu.memory_space<hbm>>) target_semaphore(%arg20 : memref<!tpu.dma_semaphore, #tpu.memory_space<semaphore_mem>>)
    %dma_start3A_79 = arith.constant 0 : i32
    %dma_start3A_80 = tpu.memref_slice %arg7[%add3A_74, %dma_start3A_79] : memref<8192x128xf32, #tpu.memory_space<hbm>> -> memref<128x128xf32, #tpu.memory_space<hbm>>
    %dma_start3A_81 = arith.constant 0 : i32
    %dma_start3A_82 = tpu.memref_slice %arg7[%add3A_74, %dma_start3A_81] : memref<8192x128xf32, #tpu.memory_space<hbm>> -> memref<128x128xf32, #tpu.memory_space<hbm>>
    tpu.enqueue_dma source(%arg13 : memref<128x128xf32, #tpu.memory_space<vmem>>) target(%dma_start3A_82 : memref<128x128xf32, #tpu.memory_space<hbm>>) target_semaphore(%arg20 : memref<!tpu.dma_semaphore, #tpu.memory_space<semaphore_mem>>)
    %dma_wait3A_83 = arith.constant 0 : i32
    %dma_wait3A_84 = tpu.memref_slice %arg6[%add3A_50, %dma_wait3A_83] : memref<8192x128xf32, #tpu.memory_space<hbm>> -> memref<128x128xf32, #tpu.memory_space<hbm>>
    %dma_wait3A_85 = arith.constant 0 : i32
    %dma_wait3A_86 = tpu.memref_slice %arg6[%add3A_50, %dma_wait3A_85] : memref<8192x128xf32, #tpu.memory_space<hbm>> -> memref<128x128xf32, #tpu.memory_space<hbm>>
    tpu.wait_dma2 semaphore(%arg19 : memref<!tpu.dma_semaphore, #tpu.memory_space<semaphore_mem>>) src(%arg10 : memref<128x128xf32, #tpu.memory_space<vmem>>) dst(%dma_wait3A_86 : memref<128x128xf32, #tpu.memory_space<hbm>>)
    %dma_wait3A_87 = arith.constant 0 : i32
    %dma_wait3A_88 = tpu.memref_slice %arg7[%add3A_50, %dma_wait3A_87] : memref<8192x128xf32, #tpu.memory_space<hbm>> -> memref<128x128xf32, #tpu.memory_space<hbm>>
    %dma_wait3A_89 = arith.constant 0 : i32
    %dma_wait3A_90 = tpu.memref_slice %arg7[%add3A_50, %dma_wait3A_89] : memref<8192x128xf32, #tpu.memory_space<hbm>> -> memref<128x128xf32, #tpu.memory_space<hbm>>
    tpu.wait_dma2 semaphore(%arg19 : memref<!tpu.dma_semaphore, #tpu.memory_space<semaphore_mem>>) src(%arg12 : memref<128x128xf32, #tpu.memory_space<vmem>>) dst(%dma_wait3A_90 : memref<128x128xf32, #tpu.memory_space<hbm>>)
    %dma_wait3A_91 = arith.constant 0 : i32
    %dma_wait3A_92 = tpu.memref_slice %arg6[%add3A_74, %dma_wait3A_91] : memref<8192x128xf32, #tpu.memory_space<hbm>> -> memref<128x128xf32, #tpu.memory_space<hbm>>
    %dma_wait3A_93 = arith.constant 0 : i32
    %dma_wait3A_94 = tpu.memref_slice %arg6[%add3A_74, %dma_wait3A_93] : memref<8192x128xf32, #tpu.memory_space<hbm>> -> memref<128x128xf32, #tpu.memory_space<hbm>>
    tpu.wait_dma2 semaphore(%arg20 : memref<!tpu.dma_semaphore, #tpu.memory_space<semaphore_mem>>) src(%arg11 : memref<128x128xf32, #tpu.memory_space<vmem>>) dst(%dma_wait3A_94 : memref<128x128xf32, #tpu.memory_space<hbm>>)
    %dma_wait3A_95 = arith.constant 0 : i32
    %dma_wait3A_96 = tpu.memref_slice %arg7[%add3A_74, %dma_wait3A_95] : memref<8192x128xf32, #tpu.memory_space<hbm>> -> memref<128x128xf32, #tpu.memory_space<hbm>>
    %dma_wait3A_97 = arith.constant 0 : i32
    %dma_wait3A_98 = tpu.memref_slice %arg7[%add3A_74, %dma_wait3A_97] : memref<8192x128xf32, #tpu.memory_space<hbm>> -> memref<128x128xf32, #tpu.memory_space<hbm>>
    tpu.wait_dma2 semaphore(%arg20 : memref<!tpu.dma_semaphore, #tpu.memory_space<semaphore_mem>>) src(%arg13 : memref<128x128xf32, #tpu.memory_space<vmem>>) dst(%dma_wait3A_98 : memref<128x128xf32, #tpu.memory_space<hbm>>)
    return
  }
}

#map = affine_map<(d0, d1) -> (0, 0)>
module attributes {stable_mosaic.version = 14 : i64} {
  func.func @_sc_gather(%arg0: i32, %arg1: i32, %arg2: memref<128x128xi32, #tpu.memory_space<hbm>>, %arg3: memref<128x128xi32, #tpu.memory_space<hbm>>, %arg4: memref<100000x128xf32, #tpu.memory_space<hbm>>, %arg5: memref<1001x128xf32, #tpu.memory_space<hbm>>, %arg6: memref<8192x128xf32, #tpu.memory_space<hbm>>, %arg7: memref<8192x128xf32, #tpu.memory_space<hbm>>, %arg8: memref<2x128xi32, #tpu.memory_space<vmem>>, %arg9: memref<2x128xi32, #tpu.memory_space<vmem>>, %arg10: memref<128x128xf32, #tpu.memory_space<vmem>>, %arg11: memref<128x128xf32, #tpu.memory_space<vmem>>, %arg12: memref<128x128xf32, #tpu.memory_space<vmem>>, %arg13: memref<128x128xf32, #tpu.memory_space<vmem>>, %arg14: memref<1001x128xf32, #tpu.memory_space<vmem_shared>>, %arg15: memref<!tpu.dma_semaphore, #tpu.memory_space<semaphore_mem>>, %arg16: memref<!tpu.dma_semaphore, #tpu.memory_space<semaphore_mem>>, %arg17: memref<!tpu.dma_semaphore, #tpu.memory_space<semaphore_mem>>, %arg18: memref<!tpu.dma_semaphore, #tpu.memory_space<semaphore_mem>>, %arg19: memref<!tpu.dma_semaphore, #tpu.memory_space<semaphore_mem>>, %arg20: memref<!tpu.dma_semaphore, #tpu.memory_space<semaphore_mem>>) attributes {dimension_semantics = [#tpu.dimension_semantics<core_parallel>, #tpu.dimension_semantics<subcore_parallel>], iteration_bounds = array<i64: 2, 16>, scalar_prefetch = 0 : i64, scratch_operands = 13 : i64, tpu.core_type = #tpu.core_type<sc_vector_subcore>, window_params = [{transform_indices = #map}, {transform_indices = #map}, {transform_indices = #map}, {transform_indices = #map}, {transform_indices = #map}, {transform_indices = #map}]} {
    %mul3A = arith.constant 2 : i32
    %mul3A_0 = arith.muli %arg1, %mul3A : i32
    %add3A = arith.addi %mul3A_0, %arg0 : i32
    %mul3A_1 = arith.constant 256 : i32
    %mul3A_2 = arith.muli %add3A, %mul3A_1 : i32
    %eq3A = arith.constant 0 : i32
    %eq3A_3 = arith.cmpi eq, %arg1, %eq3A : i32
    %convert_element_type3A = arith.extui %eq3A_3 : i1 to i32
    %cond3A = arith.constant 0 : i32
    %cond3A_4 = arith.cmpi ne, %convert_element_type3A, %cond3A : i32
    scf.if %cond3A_4 {
      "tpu.region"() ({
        %run_scoped3A = tpu.sem_alloc : memref<!tpu.dma_semaphore, #tpu.memory_space<semaphore_mem>>
        tpu.enqueue_dma source(%arg5 : memref<1001x128xf32, #tpu.memory_space<hbm>>) target(%arg14 : memref<1001x128xf32, #tpu.memory_space<vmem_shared>>) target_semaphore(%run_scoped3A : memref<!tpu.dma_semaphore, #tpu.memory_space<semaphore_mem>>)
        tpu.wait_dma2 semaphore(%run_scoped3A : memref<!tpu.dma_semaphore, #tpu.memory_space<semaphore_mem>>) src(%arg5 : memref<1001x128xf32, #tpu.memory_space<hbm>>) dst(%arg14 : memref<1001x128xf32, #tpu.memory_space<vmem_shared>>)
        tpu.yield
      }) : () -> ()
    } else {
    }
    %mul3A_5 = arith.constant 2 : i32
    %mul3A_6 = arith.muli %add3A, %mul3A_5 : i32
    %add3A_7 = arith.constant 64 : i32
    %add3A_8 = arith.addi %add3A_7, %mul3A_6 : i32
    "tpu.region"() ({
      %run_scoped3A = tpu.sem_alloc : memref<!tpu.dma_semaphore, #tpu.memory_space<semaphore_mem>>
      %dma_start3A_99 = arith.constant 0 : i32
      %dma_start3A_100 = tpu.memref_slice %arg2[%add3A_8, %dma_start3A_99] : memref<128x128xi32, #tpu.memory_space<hbm>> -> memref<2x128xi32, #tpu.memory_space<hbm>>
      %dma_start3A_101 = arith.constant 0 : i32
      %dma_start3A_102 = tpu.memref_slice %arg2[%add3A_8, %dma_start3A_101] : memref<128x128xi32, #tpu.memory_space<hbm>> -> memref<2x128xi32, #tpu.memory_space<hbm>>
      tpu.enqueue_dma source(%dma_start3A_102 : memref<2x128xi32, #tpu.memory_space<hbm>>) target(%arg8 : memref<2x128xi32, #tpu.memory_space<vmem>>) target_semaphore(%run_scoped3A : memref<!tpu.dma_semaphore, #tpu.memory_space<semaphore_mem>>)
      %dma_wait3A_103 = arith.constant 0 : i32
      %dma_wait3A_104 = tpu.memref_slice %arg2[%add3A_8, %dma_wait3A_103] : memref<128x128xi32, #tpu.memory_space<hbm>> -> memref<2x128xi32, #tpu.memory_space<hbm>>
      %dma_wait3A_105 = arith.constant 0 : i32
      %dma_wait3A_106 = tpu.memref_slice %arg2[%add3A_8, %dma_wait3A_105] : memref<128x128xi32, #tpu.memory_space<hbm>> -> memref<2x128xi32, #tpu.memory_space<hbm>>
      tpu.wait_dma2 semaphore(%run_scoped3A : memref<!tpu.dma_semaphore, #tpu.memory_space<semaphore_mem>>) src(%dma_wait3A_106 : memref<2x128xi32, #tpu.memory_space<hbm>>) dst(%arg8 : memref<2x128xi32, #tpu.memory_space<vmem>>)
      tpu.yield
    }) : () -> ()
    "tpu.region"() ({
      %run_scoped3A = tpu.sem_alloc : memref<!tpu.dma_semaphore, #tpu.memory_space<semaphore_mem>>
      %dma_start3A_99 = arith.constant 0 : i32
      %dma_start3A_100 = tpu.memref_slice %arg3[%add3A_8, %dma_start3A_99] : memref<128x128xi32, #tpu.memory_space<hbm>> -> memref<2x128xi32, #tpu.memory_space<hbm>>
      %dma_start3A_101 = arith.constant 0 : i32
      %dma_start3A_102 = tpu.memref_slice %arg3[%add3A_8, %dma_start3A_101] : memref<128x128xi32, #tpu.memory_space<hbm>> -> memref<2x128xi32, #tpu.memory_space<hbm>>
      tpu.enqueue_dma source(%dma_start3A_102 : memref<2x128xi32, #tpu.memory_space<hbm>>) target(%arg9 : memref<2x128xi32, #tpu.memory_space<vmem>>) target_semaphore(%run_scoped3A : memref<!tpu.dma_semaphore, #tpu.memory_space<semaphore_mem>>)
      %dma_wait3A_103 = arith.constant 0 : i32
      %dma_wait3A_104 = tpu.memref_slice %arg3[%add3A_8, %dma_wait3A_103] : memref<128x128xi32, #tpu.memory_space<hbm>> -> memref<2x128xi32, #tpu.memory_space<hbm>>
      %dma_wait3A_105 = arith.constant 0 : i32
      %dma_wait3A_106 = tpu.memref_slice %arg3[%add3A_8, %dma_wait3A_105] : memref<128x128xi32, #tpu.memory_space<hbm>> -> memref<2x128xi32, #tpu.memory_space<hbm>>
      tpu.wait_dma2 semaphore(%run_scoped3A : memref<!tpu.dma_semaphore, #tpu.memory_space<semaphore_mem>>) src(%dma_wait3A_106 : memref<2x128xi32, #tpu.memory_space<hbm>>) dst(%arg9 : memref<2x128xi32, #tpu.memory_space<vmem>>)
      tpu.yield
    }) : () -> ()
    %barrier3A = arith.constant 0 : index
    tpu.barrier barrier_id(%barrier3A)
    %dma_start3A = arith.constant 0 : i32
    %dma_start3A_9 = arith.constant 0 : i32
    %dma_start3A_10 = tpu.memref_slice %arg8[%dma_start3A, %dma_start3A_9] : memref<2x128xi32, #tpu.memory_space<vmem>> -> memref<1x128xi32, #tpu.memory_space<vmem>>
    %dma_start3A_11 = tpu.memref_squeeze %dma_start3A_10 : memref<1x128xi32, #tpu.memory_space<vmem>> -> memref<128xi32, #tpu.memory_space<vmem>>
    %dma_start3A_12 = arith.constant 0 : i32
    %dma_start3A_13 = arith.constant 0 : i32
    %dma_start3A_14 = tpu.memref_slice %arg4[%dma_start3A_12, %dma_start3A_13] : memref<100000x128xf32, #tpu.memory_space<hbm>> -> memref<100000x128xf32, #tpu.memory_space<hbm>>
    tpu.enqueue_indirect_dma source(%dma_start3A_14 : memref<100000x128xf32, #tpu.memory_space<hbm>>) target(%arg10 : memref<128x128xf32, #tpu.memory_space<vmem>>) offsets(%dma_start3A_11 : memref<128xi32, #tpu.memory_space<vmem>>) semaphore(%arg15 : memref<!tpu.dma_semaphore, #tpu.memory_space<semaphore_mem>>)
    %dma_start3A_15 = arith.constant 0 : i32
    %dma_start3A_16 = arith.constant 0 : i32
    %dma_start3A_17 = tpu.memref_slice %arg9[%dma_start3A_15, %dma_start3A_16] : memref<2x128xi32, #tpu.memory_space<vmem>> -> memref<1x128xi32, #tpu.memory_space<vmem>>
    %dma_start3A_18 = tpu.memref_squeeze %dma_start3A_17 : memref<1x128xi32, #tpu.memory_space<vmem>> -> memref<128xi32, #tpu.memory_space<vmem>>
    %dma_start3A_19 = arith.constant 0 : i32
    %dma_start3A_20 = arith.constant 0 : i32
    %dma_start3A_21 = tpu.memref_slice %arg14[%dma_start3A_19, %dma_start3A_20] : memref<1001x128xf32, #tpu.memory_space<vmem_shared>> -> memref<1001x128xf32, #tpu.memory_space<vmem_shared>>
    tpu.enqueue_indirect_dma source(%dma_start3A_21 : memref<1001x128xf32, #tpu.memory_space<vmem_shared>>) target(%arg12 : memref<128x128xf32, #tpu.memory_space<vmem>>) offsets(%dma_start3A_18 : memref<128xi32, #tpu.memory_space<vmem>>) semaphore(%arg17 : memref<!tpu.dma_semaphore, #tpu.memory_space<semaphore_mem>>)
    %dma_start3A_22 = arith.constant 1 : i32
    %dma_start3A_23 = arith.constant 0 : i32
    %dma_start3A_24 = tpu.memref_slice %arg8[%dma_start3A_22, %dma_start3A_23] : memref<2x128xi32, #tpu.memory_space<vmem>> -> memref<1x128xi32, #tpu.memory_space<vmem>>
    %dma_start3A_25 = tpu.memref_squeeze %dma_start3A_24 : memref<1x128xi32, #tpu.memory_space<vmem>> -> memref<128xi32, #tpu.memory_space<vmem>>
    %dma_start3A_26 = arith.constant 0 : i32
    %dma_start3A_27 = arith.constant 0 : i32
    %dma_start3A_28 = tpu.memref_slice %arg4[%dma_start3A_26, %dma_start3A_27] : memref<100000x128xf32, #tpu.memory_space<hbm>> -> memref<100000x128xf32, #tpu.memory_space<hbm>>
    tpu.enqueue_indirect_dma source(%dma_start3A_28 : memref<100000x128xf32, #tpu.memory_space<hbm>>) target(%arg11 : memref<128x128xf32, #tpu.memory_space<vmem>>) offsets(%dma_start3A_25 : memref<128xi32, #tpu.memory_space<vmem>>) semaphore(%arg16 : memref<!tpu.dma_semaphore, #tpu.memory_space<semaphore_mem>>)
    %dma_start3A_29 = arith.constant 1 : i32
    %dma_start3A_30 = arith.constant 0 : i32
    %dma_start3A_31 = tpu.memref_slice %arg9[%dma_start3A_29, %dma_start3A_30] : memref<2x128xi32, #tpu.memory_space<vmem>> -> memref<1x128xi32, #tpu.memory_space<vmem>>
    %dma_start3A_32 = tpu.memref_squeeze %dma_start3A_31 : memref<1x128xi32, #tpu.memory_space<vmem>> -> memref<128xi32, #tpu.memory_space<vmem>>
    %dma_start3A_33 = arith.constant 0 : i32
    %dma_start3A_34 = arith.constant 0 : i32
    %dma_start3A_35 = tpu.memref_slice %arg14[%dma_start3A_33, %dma_start3A_34] : memref<1001x128xf32, #tpu.memory_space<vmem_shared>> -> memref<1001x128xf32, #tpu.memory_space<vmem_shared>>
    tpu.enqueue_indirect_dma source(%dma_start3A_35 : memref<1001x128xf32, #tpu.memory_space<vmem_shared>>) target(%arg13 : memref<128x128xf32, #tpu.memory_space<vmem>>) offsets(%dma_start3A_32 : memref<128xi32, #tpu.memory_space<vmem>>) semaphore(%arg18 : memref<!tpu.dma_semaphore, #tpu.memory_space<semaphore_mem>>)
    %dma_wait3A = arith.constant 0 : i32
    %dma_wait3A_36 = arith.constant 0 : i32
    %dma_wait3A_37 = tpu.memref_slice %arg8[%dma_wait3A, %dma_wait3A_36] : memref<2x128xi32, #tpu.memory_space<vmem>> -> memref<1x128xi32, #tpu.memory_space<vmem>>
    %dma_wait3A_38 = tpu.memref_squeeze %dma_wait3A_37 : memref<1x128xi32, #tpu.memory_space<vmem>> -> memref<128xi32, #tpu.memory_space<vmem>>
    %dma_wait3A_39 = arith.constant 0 : i32
    %dma_wait3A_40 = arith.constant 0 : i32
    %dma_wait3A_41 = tpu.memref_slice %arg4[%dma_wait3A_39, %dma_wait3A_40] : memref<100000x128xf32, #tpu.memory_space<hbm>> -> memref<100000x128xf32, #tpu.memory_space<hbm>>
    tpu.wait_indirect_dma semaphore(%arg15 : memref<!tpu.dma_semaphore, #tpu.memory_space<semaphore_mem>>) src(%dma_wait3A_41 : memref<100000x128xf32, #tpu.memory_space<hbm>>) dst(%arg10 : memref<128x128xf32, #tpu.memory_space<vmem>>)
    %dma_wait3A_42 = arith.constant 0 : i32
    %dma_wait3A_43 = arith.constant 0 : i32
    %dma_wait3A_44 = tpu.memref_slice %arg9[%dma_wait3A_42, %dma_wait3A_43] : memref<2x128xi32, #tpu.memory_space<vmem>> -> memref<1x128xi32, #tpu.memory_space<vmem>>
    %dma_wait3A_45 = tpu.memref_squeeze %dma_wait3A_44 : memref<1x128xi32, #tpu.memory_space<vmem>> -> memref<128xi32, #tpu.memory_space<vmem>>
    %dma_wait3A_46 = arith.constant 0 : i32
    %dma_wait3A_47 = arith.constant 0 : i32
    %dma_wait3A_48 = tpu.memref_slice %arg14[%dma_wait3A_46, %dma_wait3A_47] : memref<1001x128xf32, #tpu.memory_space<vmem_shared>> -> memref<1001x128xf32, #tpu.memory_space<vmem_shared>>
    tpu.wait_indirect_dma semaphore(%arg17 : memref<!tpu.dma_semaphore, #tpu.memory_space<semaphore_mem>>) src(%dma_wait3A_48 : memref<1001x128xf32, #tpu.memory_space<vmem_shared>>) dst(%arg12 : memref<128x128xf32, #tpu.memory_space<vmem>>)
    %add3A_49 = arith.constant 0 : i32
    %add3A_50 = arith.addi %mul3A_2, %add3A_49 : i32
    %dma_start3A_51 = arith.constant 0 : i32
    %dma_start3A_52 = tpu.memref_slice %arg6[%add3A_50, %dma_start3A_51] : memref<8192x128xf32, #tpu.memory_space<hbm>> -> memref<128x128xf32, #tpu.memory_space<hbm>>
    %dma_start3A_53 = arith.constant 0 : i32
    %dma_start3A_54 = tpu.memref_slice %arg6[%add3A_50, %dma_start3A_53] : memref<8192x128xf32, #tpu.memory_space<hbm>> -> memref<128x128xf32, #tpu.memory_space<hbm>>
    tpu.enqueue_dma source(%arg10 : memref<128x128xf32, #tpu.memory_space<vmem>>) target(%dma_start3A_54 : memref<128x128xf32, #tpu.memory_space<hbm>>) target_semaphore(%arg19 : memref<!tpu.dma_semaphore, #tpu.memory_space<semaphore_mem>>)
    %dma_start3A_55 = arith.constant 0 : i32
    %dma_start3A_56 = tpu.memref_slice %arg7[%add3A_50, %dma_start3A_55] : memref<8192x128xf32, #tpu.memory_space<hbm>> -> memref<128x128xf32, #tpu.memory_space<hbm>>
    %dma_start3A_57 = arith.constant 0 : i32
    %dma_start3A_58 = tpu.memref_slice %arg7[%add3A_50, %dma_start3A_57] : memref<8192x128xf32, #tpu.memory_space<hbm>> -> memref<128x128xf32, #tpu.memory_space<hbm>>
    tpu.enqueue_dma source(%arg12 : memref<128x128xf32, #tpu.memory_space<vmem>>) target(%dma_start3A_58 : memref<128x128xf32, #tpu.memory_space<hbm>>) target_semaphore(%arg19 : memref<!tpu.dma_semaphore, #tpu.memory_space<semaphore_mem>>)
    %dma_wait3A_59 = arith.constant 1 : i32
    %dma_wait3A_60 = arith.constant 0 : i32
    %dma_wait3A_61 = tpu.memref_slice %arg8[%dma_wait3A_59, %dma_wait3A_60] : memref<2x128xi32, #tpu.memory_space<vmem>> -> memref<1x128xi32, #tpu.memory_space<vmem>>
    %dma_wait3A_62 = tpu.memref_squeeze %dma_wait3A_61 : memref<1x128xi32, #tpu.memory_space<vmem>> -> memref<128xi32, #tpu.memory_space<vmem>>
    %dma_wait3A_63 = arith.constant 0 : i32
    %dma_wait3A_64 = arith.constant 0 : i32
    %dma_wait3A_65 = tpu.memref_slice %arg4[%dma_wait3A_63, %dma_wait3A_64] : memref<100000x128xf32, #tpu.memory_space<hbm>> -> memref<100000x128xf32, #tpu.memory_space<hbm>>
    tpu.wait_indirect_dma semaphore(%arg16 : memref<!tpu.dma_semaphore, #tpu.memory_space<semaphore_mem>>) src(%dma_wait3A_65 : memref<100000x128xf32, #tpu.memory_space<hbm>>) dst(%arg11 : memref<128x128xf32, #tpu.memory_space<vmem>>)
    %dma_wait3A_66 = arith.constant 1 : i32
    %dma_wait3A_67 = arith.constant 0 : i32
    %dma_wait3A_68 = tpu.memref_slice %arg9[%dma_wait3A_66, %dma_wait3A_67] : memref<2x128xi32, #tpu.memory_space<vmem>> -> memref<1x128xi32, #tpu.memory_space<vmem>>
    %dma_wait3A_69 = tpu.memref_squeeze %dma_wait3A_68 : memref<1x128xi32, #tpu.memory_space<vmem>> -> memref<128xi32, #tpu.memory_space<vmem>>
    %dma_wait3A_70 = arith.constant 0 : i32
    %dma_wait3A_71 = arith.constant 0 : i32
    %dma_wait3A_72 = tpu.memref_slice %arg14[%dma_wait3A_70, %dma_wait3A_71] : memref<1001x128xf32, #tpu.memory_space<vmem_shared>> -> memref<1001x128xf32, #tpu.memory_space<vmem_shared>>
    tpu.wait_indirect_dma semaphore(%arg18 : memref<!tpu.dma_semaphore, #tpu.memory_space<semaphore_mem>>) src(%dma_wait3A_72 : memref<1001x128xf32, #tpu.memory_space<vmem_shared>>) dst(%arg13 : memref<128x128xf32, #tpu.memory_space<vmem>>)
    %add3A_73 = arith.constant 128 : i32
    %add3A_74 = arith.addi %mul3A_2, %add3A_73 : i32
    %dma_start3A_75 = arith.constant 0 : i32
    %dma_start3A_76 = tpu.memref_slice %arg6[%add3A_74, %dma_start3A_75] : memref<8192x128xf32, #tpu.memory_space<hbm>> -> memref<128x128xf32, #tpu.memory_space<hbm>>
    %dma_start3A_77 = arith.constant 0 : i32
    %dma_start3A_78 = tpu.memref_slice %arg6[%add3A_74, %dma_start3A_77] : memref<8192x128xf32, #tpu.memory_space<hbm>> -> memref<128x128xf32, #tpu.memory_space<hbm>>
    tpu.enqueue_dma source(%arg11 : memref<128x128xf32, #tpu.memory_space<vmem>>) target(%dma_start3A_78 : memref<128x128xf32, #tpu.memory_space<hbm>>) target_semaphore(%arg20 : memref<!tpu.dma_semaphore, #tpu.memory_space<semaphore_mem>>)
    %dma_start3A_79 = arith.constant 0 : i32
    %dma_start3A_80 = tpu.memref_slice %arg7[%add3A_74, %dma_start3A_79] : memref<8192x128xf32, #tpu.memory_space<hbm>> -> memref<128x128xf32, #tpu.memory_space<hbm>>
    %dma_start3A_81 = arith.constant 0 : i32
    %dma_start3A_82 = tpu.memref_slice %arg7[%add3A_74, %dma_start3A_81] : memref<8192x128xf32, #tpu.memory_space<hbm>> -> memref<128x128xf32, #tpu.memory_space<hbm>>
    tpu.enqueue_dma source(%arg13 : memref<128x128xf32, #tpu.memory_space<vmem>>) target(%dma_start3A_82 : memref<128x128xf32, #tpu.memory_space<hbm>>) target_semaphore(%arg20 : memref<!tpu.dma_semaphore, #tpu.memory_space<semaphore_mem>>)
    %dma_wait3A_83 = arith.constant 0 : i32
    %dma_wait3A_84 = tpu.memref_slice %arg6[%add3A_50, %dma_wait3A_83] : memref<8192x128xf32, #tpu.memory_space<hbm>> -> memref<128x128xf32, #tpu.memory_space<hbm>>
    %dma_wait3A_85 = arith.constant 0 : i32
    %dma_wait3A_86 = tpu.memref_slice %arg6[%add3A_50, %dma_wait3A_85] : memref<8192x128xf32, #tpu.memory_space<hbm>> -> memref<128x128xf32, #tpu.memory_space<hbm>>
    tpu.wait_dma2 semaphore(%arg19 : memref<!tpu.dma_semaphore, #tpu.memory_space<semaphore_mem>>) src(%arg10 : memref<128x128xf32, #tpu.memory_space<vmem>>) dst(%dma_wait3A_86 : memref<128x128xf32, #tpu.memory_space<hbm>>)
    %dma_wait3A_87 = arith.constant 0 : i32
    %dma_wait3A_88 = tpu.memref_slice %arg7[%add3A_50, %dma_wait3A_87] : memref<8192x128xf32, #tpu.memory_space<hbm>> -> memref<128x128xf32, #tpu.memory_space<hbm>>
    %dma_wait3A_89 = arith.constant 0 : i32
    %dma_wait3A_90 = tpu.memref_slice %arg7[%add3A_50, %dma_wait3A_89] : memref<8192x128xf32, #tpu.memory_space<hbm>> -> memref<128x128xf32, #tpu.memory_space<hbm>>
    tpu.wait_dma2 semaphore(%arg19 : memref<!tpu.dma_semaphore, #tpu.memory_space<semaphore_mem>>) src(%arg12 : memref<128x128xf32, #tpu.memory_space<vmem>>) dst(%dma_wait3A_90 : memref<128x128xf32, #tpu.memory_space<hbm>>)
    %dma_wait3A_91 = arith.constant 0 : i32
    %dma_wait3A_92 = tpu.memref_slice %arg6[%add3A_74, %dma_wait3A_91] : memref<8192x128xf32, #tpu.memory_space<hbm>> -> memref<128x128xf32, #tpu.memory_space<hbm>>
    %dma_wait3A_93 = arith.constant 0 : i32
    %dma_wait3A_94 = tpu.memref_slice %arg6[%add3A_74, %dma_wait3A_93] : memref<8192x128xf32, #tpu.memory_space<hbm>> -> memref<128x128xf32, #tpu.memory_space<hbm>>
    tpu.wait_dma2 semaphore(%arg20 : memref<!tpu.dma_semaphore, #tpu.memory_space<semaphore_mem>>) src(%arg11 : memref<128x128xf32, #tpu.memory_space<vmem>>) dst(%dma_wait3A_94 : memref<128x128xf32, #tpu.memory_space<hbm>>)
    %dma_wait3A_95 = arith.constant 0 : i32
    %dma_wait3A_96 = tpu.memref_slice %arg7[%add3A_74, %dma_wait3A_95] : memref<8192x128xf32, #tpu.memory_space<hbm>> -> memref<128x128xf32, #tpu.memory_space<hbm>>
    %dma_wait3A_97 = arith.constant 0 : i32
    %dma_wait3A_98 = tpu.memref_slice %arg7[%add3A_74, %dma_wait3A_97] : memref<8192x128xf32, #tpu.memory_space<hbm>> -> memref<128x128xf32, #tpu.memory_space<hbm>>
    tpu.wait_dma2 semaphore(%arg20 : memref<!tpu.dma_semaphore, #tpu.memory_space<semaphore_mem>>) src(%arg13 : memref<128x128xf32, #tpu.memory_space<vmem>>) dst(%dma_wait3A_98 : memref<128x128xf32, #tpu.memory_space<hbm>>)
    return
  }
}

module attributes {stable_mosaic.version = 14 : i64} {
  func.func @_fuse_body_aliased(%arg0: i32, %arg1: memref<16384x128xf32, #tpu.memory_space<hbm>>, %arg2: memref<4096x128xf32, #tpu.memory_space<vmem>>, %arg3: memref<4096x128xf32, #tpu.memory_space<vmem>>, %arg4: memref<128x128xf32, #tpu.memory_space<vmem>>, %arg5: memref<1x128xf32, #tpu.memory_space<vmem>>, %arg6: memref<256x128xf32, #tpu.memory_space<vmem>>, %arg7: memref<1x128xf32, #tpu.memory_space<vmem>>, %arg8: memref<4096x128xf32, #tpu.memory_space<vmem>>) attributes {dimension_semantics = [#tpu.dimension_semantics<arbitrary>], iteration_bounds = array<i64: 2>, scalar_prefetch = 0 : i64, scratch_operands = 0 : i64, tpu.core_type = #tpu.core_type<tc>, window_params = [{}, {transform_indices = @transform_1, window_bounds = array<i64: 4096, 128>}, {transform_indices = @transform_2, window_bounds = array<i64: 4096, 128>}, {pipeline_mode = #tpu.pipeline_mode<synchronous>, transform_indices = @transform_3, window_bounds = array<i64: 128, 128>}, {pipeline_mode = #tpu.pipeline_mode<synchronous>, transform_indices = @transform_4, window_bounds = array<i64: 1, 128>}, {pipeline_mode = #tpu.pipeline_mode<synchronous>, transform_indices = @transform_5, window_bounds = array<i64: 256, 128>}, {pipeline_mode = #tpu.pipeline_mode<synchronous>, transform_indices = @transform_6, window_bounds = array<i64: 1, 128>}, {transform_indices = @transform_7, window_bounds = array<i64: 4096, 128>}]} {
    %get3A = arith.constant 0 : index
    %get3A_0 = arith.constant 0 : index
    %get3A_1 = vector.load %arg2[%get3A, %get3A_0] : memref<4096x128xf32, #tpu.memory_space<vmem>>, vector<4096x128xf32>
    %get3A_2 = arith.constant 0 : index
    %get3A_3 = arith.constant 0 : index
    %get3A_4 = vector.load %arg3[%get3A_2, %get3A_3] : memref<4096x128xf32, #tpu.memory_space<vmem>>, vector<4096x128xf32>
    %get3A_5 = arith.constant 0 : index
    %get3A_6 = arith.constant 0 : index
    %get3A_7 = vector.load %arg6[%get3A_5, %get3A_6] : memref<256x128xf32, #tpu.memory_space<vmem>>, vector<128x128xf32>
    %get3A_8 = arith.constant 128 : index
    %get3A_9 = arith.constant 0 : index
    %get3A_10 = vector.load %arg6[%get3A_8, %get3A_9] : memref<256x128xf32, #tpu.memory_space<vmem>>, vector<128x128xf32>
    %get3A_11 = arith.constant 0 : index
    %get3A_12 = arith.constant 0 : index
    %get3A_13 = vector.load %arg4[%get3A_11, %get3A_12] : memref<128x128xf32, #tpu.memory_space<vmem>>, vector<128x128xf32>
    %dot_general3A = arith.constant dense<0.000000e+00> : vector<128x128xf32>
    %dot_general3A_14 = tpu.matmul %get3A_13, %get3A_10, %dot_general3A {dimension_numbers = #tpu.dot_dimension_numbers<[1], [0], [0], [1], [0, 0, 1, 1], [], []>, transpose_lhs_hint = false} : vector<128x128xf32>, vector<128x128xf32>, vector<128x128xf32> -> vector<128x128xf32>
    %get3A_15 = arith.constant 0 : index
    %get3A_16 = arith.constant 0 : index
    %get3A_17 = vector.load %arg5[%get3A_15, %get3A_16] : memref<1x128xf32, #tpu.memory_space<vmem>>, vector<1x128xf32>
    %dot_general3A_18 = arith.constant dense<0.000000e+00> : vector<1x128xf32>
    %dot_general3A_19 = tpu.matmul %get3A_17, %get3A_10, %dot_general3A_18 {dimension_numbers = #tpu.dot_dimension_numbers<[1], [0], [0], [1], [0, 0, 1, 1], [], []>, transpose_lhs_hint = false} : vector<1x128xf32>, vector<128x128xf32>, vector<1x128xf32> -> vector<1x128xf32>
    %get3A_20 = arith.constant 0 : index
    %get3A_21 = arith.constant 0 : index
    %get3A_22 = vector.load %arg7[%get3A_20, %get3A_21] : memref<1x128xf32, #tpu.memory_space<vmem>>, vector<1x128xf32>
    %add3A = arith.addf %dot_general3A_19, %get3A_22 : vector<1x128xf32>
    %dot_general3A_23 = arith.constant dense<0.000000e+00> : vector<4096x128xf32>
    %dot_general3A_24 = tpu.matmul %get3A_1, %get3A_7, %dot_general3A_23 {dimension_numbers = #tpu.dot_dimension_numbers<[1], [0], [0], [1], [0, 0, 1, 1], [], []>, transpose_lhs_hint = false} : vector<4096x128xf32>, vector<128x128xf32>, vector<4096x128xf32> -> vector<4096x128xf32>
    %dot_general3A_25 = arith.constant dense<0.000000e+00> : vector<4096x128xf32>
    %dot_general3A_26 = tpu.matmul %get3A_4, %dot_general3A_14, %dot_general3A_25 {dimension_numbers = #tpu.dot_dimension_numbers<[1], [0], [0], [1], [0, 0, 1, 1], [], []>, transpose_lhs_hint = false} : vector<4096x128xf32>, vector<128x128xf32>, vector<4096x128xf32> -> vector<4096x128xf32>
    %add3A_27 = arith.addf %dot_general3A_24, %dot_general3A_26 : vector<4096x128xf32>
    %add3A_28 = vector.broadcast %add3A : vector<1x128xf32> to vector<4096x128xf32>
    %add3A_29 = arith.addf %add3A_27, %add3A_28 : vector<4096x128xf32>
    %swap3A = arith.constant 0 : index
    %swap3A_30 = arith.constant 0 : index
    %swap3A_31 = vector.load %arg8[%swap3A, %swap3A_30] : memref<4096x128xf32, #tpu.memory_space<vmem>>, vector<4096x128xf32>
    tpu.vector_store %arg8[%swap3A, %swap3A_30], %add3A_29 {strides = array<i32>} : memref<4096x128xf32, #tpu.memory_space<vmem>>, vector<4096x128xf32>,
    return
  }
  func.func @transform_1(%arg0: i32) -> (i32, i32) {
    %c0_i32 = arith.constant 0 : i32
    %c0_i32_0 = arith.constant 0 : i32
    return %arg0, %c0_i32 : i32, i32
  }
  func.func @transform_2(%arg0: i32) -> (i32, i32) {
    %c0_i32 = arith.constant 0 : i32
    %c0_i32_0 = arith.constant 0 : i32
    return %arg0, %c0_i32 : i32, i32
  }
  func.func @transform_3(%arg0: i32) -> (i32, i32) {
    %c0_i32 = arith.constant 0 : i32
    %c0_i32_0 = arith.constant 0 : i32
    %c0_i32_1 = arith.constant 0 : i32
    return %c0_i32, %c0_i32_0 : i32, i32
  }
  func.func @transform_4(%arg0: i32) -> (i32, i32) {
    %c0_i32 = arith.constant 0 : i32
    %c0_i32_0 = arith.constant 0 : i32
    %c0_i32_1 = arith.constant 0 : i32
    return %c0_i32, %c0_i32_0 : i32, i32
  }
  func.func @transform_5(%arg0: i32) -> (i32, i32) {
    %c0_i32 = arith.constant 0 : i32
    %c0_i32_0 = arith.constant 0 : i32
    %c0_i32_1 = arith.constant 0 : i32
    return %c0_i32, %c0_i32_0 : i32, i32
  }
  func.func @transform_6(%arg0: i32) -> (i32, i32) {
    %c0_i32 = arith.constant 0 : i32
    %c0_i32_0 = arith.constant 0 : i32
    %c0_i32_1 = arith.constant 0 : i32
    return %c0_i32, %c0_i32_0 : i32, i32
  }
  func.func @transform_7(%arg0: i32) -> (i32, i32) {
    %add3A = arith.constant 2 : i32
    %add3A_0 = arith.addi %arg0, %add3A : i32
    %c0_i32 = arith.constant 0 : i32
    %c0_i32_1 = arith.constant 0 : i32
    return %add3A_0, %c0_i32 : i32, i32
  }
}

module attributes {stable_mosaic.version = 14 : i64} {
  func.func @_fuse_body(%arg0: i32, %arg1: memref<4096x128xf32, #tpu.memory_space<vmem>>, %arg2: memref<4096x128xf32, #tpu.memory_space<vmem>>, %arg3: memref<128x128xf32, #tpu.memory_space<vmem>>, %arg4: memref<1x128xf32, #tpu.memory_space<vmem>>, %arg5: memref<256x128xf32, #tpu.memory_space<vmem>>, %arg6: memref<1x128xf32, #tpu.memory_space<vmem>>, %arg7: memref<4096x128xf32, #tpu.memory_space<vmem>>) attributes {dimension_semantics = [#tpu.dimension_semantics<arbitrary>], iteration_bounds = array<i64: 2>, scalar_prefetch = 0 : i64, scratch_operands = 0 : i64, tpu.core_type = #tpu.core_type<tc>, window_params = [{transform_indices = @transform_0, window_bounds = array<i64: 4096, 128>}, {transform_indices = @transform_1, window_bounds = array<i64: 4096, 128>}, {pipeline_mode = #tpu.pipeline_mode<synchronous>, transform_indices = @transform_2, window_bounds = array<i64: 128, 128>}, {pipeline_mode = #tpu.pipeline_mode<synchronous>, transform_indices = @transform_3, window_bounds = array<i64: 1, 128>}, {pipeline_mode = #tpu.pipeline_mode<synchronous>, transform_indices = @transform_4, window_bounds = array<i64: 256, 128>}, {pipeline_mode = #tpu.pipeline_mode<synchronous>, transform_indices = @transform_5, window_bounds = array<i64: 1, 128>}, {transform_indices = @transform_6, window_bounds = array<i64: 4096, 128>}]} {
    %get3A = arith.constant 0 : index
    %get3A_0 = arith.constant 0 : index
    %get3A_1 = vector.load %arg1[%get3A, %get3A_0] : memref<4096x128xf32, #tpu.memory_space<vmem>>, vector<4096x128xf32>
    %get3A_2 = arith.constant 0 : index
    %get3A_3 = arith.constant 0 : index
    %get3A_4 = vector.load %arg2[%get3A_2, %get3A_3] : memref<4096x128xf32, #tpu.memory_space<vmem>>, vector<4096x128xf32>
    %get3A_5 = arith.constant 0 : index
    %get3A_6 = arith.constant 0 : index
    %get3A_7 = vector.load %arg5[%get3A_5, %get3A_6] : memref<256x128xf32, #tpu.memory_space<vmem>>, vector<128x128xf32>
    %get3A_8 = arith.constant 128 : index
    %get3A_9 = arith.constant 0 : index
    %get3A_10 = vector.load %arg5[%get3A_8, %get3A_9] : memref<256x128xf32, #tpu.memory_space<vmem>>, vector<128x128xf32>
    %get3A_11 = arith.constant 0 : index
    %get3A_12 = arith.constant 0 : index
    %get3A_13 = vector.load %arg3[%get3A_11, %get3A_12] : memref<128x128xf32, #tpu.memory_space<vmem>>, vector<128x128xf32>
    %dot_general3A = arith.constant dense<0.000000e+00> : vector<128x128xf32>
    %dot_general3A_14 = tpu.matmul %get3A_13, %get3A_10, %dot_general3A {dimension_numbers = #tpu.dot_dimension_numbers<[1], [0], [0], [1], [0, 0, 1, 1], [], []>, transpose_lhs_hint = false} : vector<128x128xf32>, vector<128x128xf32>, vector<128x128xf32> -> vector<128x128xf32>
    %get3A_15 = arith.constant 0 : index
    %get3A_16 = arith.constant 0 : index
    %get3A_17 = vector.load %arg4[%get3A_15, %get3A_16] : memref<1x128xf32, #tpu.memory_space<vmem>>, vector<1x128xf32>
    %dot_general3A_18 = arith.constant dense<0.000000e+00> : vector<1x128xf32>
    %dot_general3A_19 = tpu.matmul %get3A_17, %get3A_10, %dot_general3A_18 {dimension_numbers = #tpu.dot_dimension_numbers<[1], [0], [0], [1], [0, 0, 1, 1], [], []>, transpose_lhs_hint = false} : vector<1x128xf32>, vector<128x128xf32>, vector<1x128xf32> -> vector<1x128xf32>
    %get3A_20 = arith.constant 0 : index
    %get3A_21 = arith.constant 0 : index
    %get3A_22 = vector.load %arg6[%get3A_20, %get3A_21] : memref<1x128xf32, #tpu.memory_space<vmem>>, vector<1x128xf32>
    %add3A = arith.addf %dot_general3A_19, %get3A_22 : vector<1x128xf32>
    %dot_general3A_23 = arith.constant dense<0.000000e+00> : vector<4096x128xf32>
    %dot_general3A_24 = tpu.matmul %get3A_1, %get3A_7, %dot_general3A_23 {dimension_numbers = #tpu.dot_dimension_numbers<[1], [0], [0], [1], [0, 0, 1, 1], [], []>, transpose_lhs_hint = false} : vector<4096x128xf32>, vector<128x128xf32>, vector<4096x128xf32> -> vector<4096x128xf32>
    %dot_general3A_25 = arith.constant dense<0.000000e+00> : vector<4096x128xf32>
    %dot_general3A_26 = tpu.matmul %get3A_4, %dot_general3A_14, %dot_general3A_25 {dimension_numbers = #tpu.dot_dimension_numbers<[1], [0], [0], [1], [0, 0, 1, 1], [], []>, transpose_lhs_hint = false} : vector<4096x128xf32>, vector<128x128xf32>, vector<4096x128xf32> -> vector<4096x128xf32>
    %add3A_27 = arith.addf %dot_general3A_24, %dot_general3A_26 : vector<4096x128xf32>
    %add3A_28 = vector.broadcast %add3A : vector<1x128xf32> to vector<4096x128xf32>
    %add3A_29 = arith.addf %add3A_27, %add3A_28 : vector<4096x128xf32>
    %swap3A = arith.constant 0 : index
    %swap3A_30 = arith.constant 0 : index
    %swap3A_31 = vector.load %arg7[%swap3A, %swap3A_30] : memref<4096x128xf32, #tpu.memory_space<vmem>>, vector<4096x128xf32>
    tpu.vector_store %arg7[%swap3A, %swap3A_30], %add3A_29 {strides = array<i32>} : memref<4096x128xf32, #tpu.memory_space<vmem>>, vector<4096x128xf32>,
    return
  }
  func.func @transform_0(%arg0: i32) -> (i32, i32) {
    %c0_i32 = arith.constant 0 : i32
    %c0_i32_0 = arith.constant 0 : i32
    return %arg0, %c0_i32 : i32, i32
  }
  func.func @transform_1(%arg0: i32) -> (i32, i32) {
    %c0_i32 = arith.constant 0 : i32
    %c0_i32_0 = arith.constant 0 : i32
    return %arg0, %c0_i32 : i32, i32
  }
  func.func @transform_2(%arg0: i32) -> (i32, i32) {
    %c0_i32 = arith.constant 0 : i32
    %c0_i32_0 = arith.constant 0 : i32
    %c0_i32_1 = arith.constant 0 : i32
    return %c0_i32, %c0_i32_0 : i32, i32
  }
  func.func @transform_3(%arg0: i32) -> (i32, i32) {
    %c0_i32 = arith.constant 0 : i32
    %c0_i32_0 = arith.constant 0 : i32
    %c0_i32_1 = arith.constant 0 : i32
    return %c0_i32, %c0_i32_0 : i32, i32
  }
  func.func @transform_4(%arg0: i32) -> (i32, i32) {
    %c0_i32 = arith.constant 0 : i32
    %c0_i32_0 = arith.constant 0 : i32
    %c0_i32_1 = arith.constant 0 : i32
    return %c0_i32, %c0_i32_0 : i32, i32
  }
  func.func @transform_5(%arg0: i32) -> (i32, i32) {
    %c0_i32 = arith.constant 0 : i32
    %c0_i32_0 = arith.constant 0 : i32
    %c0_i32_1 = arith.constant 0 : i32
    return %c0_i32, %c0_i32_0 : i32, i32
  }
  func.func @transform_6(%arg0: i32) -> (i32, i32) {
    %c0_i32 = arith.constant 0 : i32
    %c0_i32_0 = arith.constant 0 : i32
    return %arg0, %c0_i32 : i32, i32
  }
}

</mosaic_0001>

<sc_bundles>
// kernel: kernel.6.cloned.1.call-start
scs
__scs_entry_jumppad:
0x0: {  	(pc) =	sbr.rel $0x88, $3  }
0x1: {  	(tag) =	ssettag $0x0;
	lr =	simm.s32 $0x1  }
0x2: {  	[smem:$0x3F99] =	sst lr;
	_ =	strace $0xD0000000  }
0x3: {  	_ = 	snop  }
0x4: {  	_ = 	snop  }
0x5: {  	_ = 	snop  }
0x6: {  	_ = 	snop  }
0x7: {  	_ = 	snop  }
__scs_overlays_trampoline_lowered:
0x8: {  	[smem:$0x3FA8] =	sst s0  }
0x9: {  	[smem:$0x3FA9] =	sst s1  }
0xa: {  	[smem:$0x3FAA] =	sst s2  }
0xb: {  	[smem:$0x3FAB] =	sst s3  }
0xc: {  	[smem:$0x3FAC] =	sst s4  }
0xd: {  	[smem:$0x3FAD] =	sst s5  }
0xe: {  	[smem:$0x3FAE] =	sst s6  }
0xf: {  	[smem:$0x3FAF] =	sst s7  }
0x10: {  	[smem:$0x3FB0] =	sst s8  }
0x11: {  	[smem:$0x3FB1] =	sst s9;
	s0 =	simm.s32 @!p0 $0x0  }
0x12: {  	s1 =	sld [smem:$0x3F97];
	s0 =	simm.s32 @p0 $0x1  }
0x13: {  	[smem:$0x3FB2] =	sst s0;
	s0 =	simm.s32 @!p1 $0x0  }
0x14: {  	s2 =	sld [smem:$0x3F96];
	s0 =	simm.s32 @p1 $0x1  }
0x15: {  	[smem:$0x3FB3] =	sst s0;
	s0 =	simm.s32 @!p2 $0x0  }
0x16: {  	s3 =	sld [smem:$0x3FDB];
	s0 =	simm.s32 @p2 $0x1  }
0x17: {  	s4 =	simm.s32 $0x1BF5;
	[smem:$0x3FB5] =	sst s0  }
0x18: {  	s0 =	sld [smem:$0x3F98];
	_ =	swait.ge [sflag:s4], $0x0  }
0x19: {  	s7 =	sld [smem:$0x3F99]  }
0x1a: {  	s8 =	sadd.s32 $0xFFFFE003, lr  }
0x1b: {  	s9 =	sadd.s32 $0xFFFFFEF7, lr;
	s5 =	simm.s32 $0xFFFFFFFF;
	p2 =	slt.u32 s8, $0xFFFFF086  }
0x1c: {  	p1 =	slt.u32 s9, $0xF7A;
	s5 =	simm.s32 @!p2 $0x0  }
0x1d: {  	s5 =	simm.s32 @p1 $0x1;
	p0 =	seq.s32 s7, s2  }
0x1e: {  	s7 =	smul.u32 @!p0 $0xF7A, s2;
	p2 =	seq.s32 @!p0 s5, $0x0  }
0x1f: {  	s9 =	smul.u32 $0xF7A, s1;
	s8 =	simm.s32 @!p0 $0x1BF5;
	p2 =	por !p2, p0  }
0x20: {  	[sflag:s8] =	ssyncset.s32 @!p0 $0xFFFFF086;
	s6 =	sadd.s32 @!p0 s3, s7;
	s7 =	simm.s32 @!p0 $0x108  }
0x21: {  	s3 =	sadd.s32 s3, s9;
	s6 =	sadd.s32 @!p0 $0x88, s6;
	s7 =	simm.s32 @p2 $0x1082  }
0x22: {  	[simem:s7], [sflag:s8] =	dma.local @!p0 [hbm:s6], $0xF7A  }
0x23: {  	s9 =	sor.u32 $0xD0000000, s2;
	s6 =	simm.s32 $0x108;
	_ =	swait.ge @!p0 [sflag:s8], $0x0  }
0x24: {  	s3 =	sadd.s32 $0x88, s3;
	s6 =	simm.s32 @!p1 $0x1082;
	[sflag:s4] =	ssyncset.s32 $0xFFFFF086  }
0x25: {  	[simem:s6], [sflag:s4] =	dma.local [hbm:s3], $0xF7A  }
0x26: {  	[smem:$0x3F99] =	sst s1;
	(tag) =	ssettag s2;
	_ =	strace s9  }
0x27: {  	s1 =	sld [smem:$0x3FA9]  }
0x28: {  	s2 =	sld [smem:$0x3FAA]  }
0x29: {  	s4 =	sld [smem:$0x3FAC]  }
0x2a: {  	p0 =	seq.s32 s5, $0x0;
	s5 =	sld [smem:$0x3FAD]  }
0x2b: {  	s6 =	sld [smem:$0x3FAE]  }
0x2c: {  	s7 =	sld [smem:$0x3FAF]  }
0x2d: {  	s3 =	simm.s32 $0x108;
	s8 =	sld [smem:$0x3FB0]  }
0x2e: {  	s3 =	simm.s32 @!p0 $0x1082;
	s9 =	sld [smem:$0x3FB1]  }
0x2f: {  	lr =	sadd.s32 s0, s3;
	s0 =	sld [smem:$0x3FA8]  }
0x30: {  	s3 =	sld [smem:$0x3FAB]  }
0x31: {  	[smem:$0x3FB4] =	sst s10  }
0x32: {  	s10 =	sld [smem:$0x3FB2];
	_ =	sdelay $0x3  }
0x33: {  	p0 =	seq.s32 s10, $0x1;
	s10 =	sld [smem:$0x3FB4];
	_ =	sdelay $0x3  }
0x34: {  	[smem:$0x3FB4] =	sst s10  }
0x35: {  	s10 =	sld [smem:$0x3FB3];
	_ =	sdelay $0x3  }
0x36: {  	p1 =	seq.s32 s10, $0x1;
	s10 =	sld [smem:$0x3FB4];
	_ =	sdelay $0x3  }
0x37: {  	[smem:$0x3FB4] =	sst s10  }
0x38: {  	s10 =	sld [smem:$0x3FB5]  }
0x39: {  	_ = 	snop;
	(pc) =	sbr.ind lr, $3  }
0x3a: {  	_ = 	snop  }
0x3b: {  	_ = 	snop  }
0x3c: {  	p2 =	seq.s32 s10, $0x1;
	s10 =	sld [smem:$0x3FB4]  }
0x3d: {  	_ =	shalt  }
0x3e: {  	_ =	shalt  }
0x3f: {  	_ =	shalt  }
0x40: {  	_ =	shalt  }
0x41: {  	_ =	shalt  }
0x42: {  	_ =	shalt  }
0x43: {  	_ =	shalt  }
0x44: {  	_ =	shalt  }
0x45: {  	_ =	shalt  }
0x46: {  	_ =	shalt  }
0x47: {  	_ =	shalt  }
0x48: {  	_ =	shalt  }
0x49: {  	_ =	shalt  }
0x4a: {  	_ =	shalt  }
0x4b: {  	_ =	shalt  }
0x4c: {  	_ =	shalt  }
0x4d: {  	_ =	shalt  }
0x4e: {  	_ =	shalt  }
0x4f: {  	_ =	shalt  }
0x50: {  	_ =	shalt  }
0x51: {  	_ =	shalt  }
0x52: {  	_ =	shalt  }
0x53: {  	_ =	shalt  }
0x54: {  	_ =	shalt  }
0x55: {  	_ =	shalt  }
0x56: {  	_ =	shalt  }
0x57: {  	_ =	shalt  }
0x58: {  	_ =	shalt  }
0x59: {  	_ =	shalt  }
0x5a: {  	_ =	shalt  }
0x5b: {  	_ =	shalt  }
0x5c: {  	_ =	shalt  }
0x5d: {  	_ =	shalt  }
0x5e: {  	_ =	shalt  }
0x5f: {  	_ =	shalt  }
0x60: {  	_ =	shalt  }
0x61: {  	_ =	shalt  }
0x62: {  	_ =	shalt  }
0x63: {  	_ =	shalt  }
0x64: {  	_ =	shalt  }
0x65: {  	_ =	shalt  }
0x66: {  	_ =	shalt  }
0x67: {  	_ =	shalt  }
0x68: {  	_ =	shalt  }
0x69: {  	_ =	shalt  }
0x6a: {  	_ =	shalt  }
0x6b: {  	_ =	shalt  }
0x6c: {  	_ =	shalt  }
0x6d: {  	_ =	shalt  }
0x6e: {  	_ =	shalt  }
0x6f: {  	_ =	shalt  }
0x70: {  	_ =	shalt  }
0x71: {  	_ =	shalt  }
0x72: {  	_ =	shalt  }
0x73: {  	_ =	shalt  }
0x74: {  	_ =	shalt  }
0x75: {  	_ =	shalt  }
0x76: {  	_ =	shalt  }
0x77: {  	_ =	shalt  }
0x78: {  	_ =	shalt  }
0x79: {  	_ =	shalt  }
0x7a: {  	_ =	shalt  }
0x7b: {  	_ =	shalt  }
0x7c: {  	_ =	shalt  }
0x7d: {  	_ =	shalt  }
0x7e: {  	_ =	shalt  }
0x7f: {  	_ =	shalt  }
0x80: {  	_ =	shalt  }
0x81: {  	_ =	shalt  }
0x82: {  	_ =	shalt  }
0x83: {  	_ =	shalt  }
0x84: {  	_ =	shalt  }
0x85: {  	_ =	shalt  }
0x86: {  	_ =	shalt  }
0x87: {  	_ =	shalt  }
.Lfunc_end0:
.L_simem_size_0:
called_computation_lowered:
.L_overlay_start_0:
0x88: {  	s2 =	sld [smem:$0x3FD9]  }
0x89: {  	s3 =	sld [smem:$0x3FFE];
	_ =	sdelay $0x1  }
0x8a: {  	s1 =	srdreg.scid  }
0x8b: {  	s0 =	sand.u32 $0x1, s1  }
0x8c: {  	s17 =	sshll.u32 s0, $0xA;
	s2 =	sadd.s32 s3, s2  }
0x8d: {  	s2 =	sadd.s32 s2, s17  }
0x8e: {  	[smem:$0x3FC0] =	sst s2  }
0x8f: {  	_ = 	snop  }
0x90: {  	s2 =	sld [smem:$0x3FC9]  }
0x91: {  	s18 =	sld [smem:$0x3FC8]  }
0x92: {  	s4 =	sld [smem:$0x3FC7]  }
0x93: {  	s5 =	sld [smem:$0x3FC6]  }
0x94: {  	s6 =	sld [smem:$0x3FD0];
	(tm) =	ssettm $0x1  }
0x95: {  	s7 =	sld [smem:$0x3FFB];
	_ =	sdelay $0x3  }
0x96: {  	_ =	strace s7  }
0x97: {  	s7 =	sld [smem:$0x3FFC];
	_ =	sdelay $0x3  }
0x98: {  	_ =	strace s7  }
0x99: {  	s7 =	sld [smem:$0x3FFD];
	_ =	sdelay $0x3  }
0x9a: {  	_ =	strace s7  }
0x9b: {  	_ =	strace $0x8FFFFFFF  }
0x9c: {  	s19 =	sld [smem:$0x3FDB];
	_ =	sdelay $0x1  }
0x9d: {  	s8 =	simm.s32 $_scs_section_size  }
0x9e: {  	s9 =	simm.s32 $_size__tile_overlayer_lowered;
	s10 =	simm.s32 $_tile_overlayer_lowered  }
0x9f: {  	s22 =	simm.s32 $0x1BFF;
	s21 =	sshll.u32 s10, $0x1;
	s7 =	sadd.s32 s8, s19  }
0xa0: {  	s11 =	simm.s32 $0x0;
	s20 =	sshll.u32 s9, $0x1;
	s9 =	sadd.s32 s21, s7  }
0xa1: {  	[timem:s11], [sflag:s22] =	dma.local [hbm:s9], s20  }
0xa2: {  	_ =	swait.ge [sflag:s22], s20  }
0xa3: {  	s8 =	ssub.s32 $0x0, s20;
	[sflag:s22] =	ssyncset.done $0x0  }
0xa4: {  	[sflag:s22] =	ssyncadd.s32 s8;
	_ =	sdelay $0x1  }
0xa5: {  	s23 =	simm.s32 $0x1B8B  }
0xa6: {  	_ =	swait.ge [sflag:s23], $0x1  }
0xa7: {  	[sflag:s23] =	ssyncset.done $0x0  }
0xa8: {  	s25 =	simm.s32 $0x1B8E;
	s24 =	sld [smem:$0x3FFE];
	[sflag:s23] =	ssyncadd.s32 $0xFFFFFFFF  }
0xa9: {  	s26 =	simm.s32 $execute0_lowered;
	[smem:$0x3FD2] =	sst s25  }
0xaa: {  	s9 =	sshll.u32 s26, $0x1;
	_ =	strace $0x80000046;
	[dreg:$0x1] =	wrdreg $0xFFFFFFFF  }
0xab: {  	s28 =	simm.s32 $_size_execute0_lowered;
	s7 =	sadd.s32 s7, s9;
	[dreg:$0x0] =	wrdreg $0x0  }
0xac: {  	s9 =	sshll.u32 s28, $0x1;
	[dreg:$0x2] =	wrdreg s7  }
0xad: {  	[dreg:$0x3] =	wrdreg s9  }
0xae: {  	[dreg:$0x4] =	wrdreg $0xC0  }
0xaf: {  	_ =	task [dreg:s11], $0x5FFFF  }
0xb0: {  	[dreg:$0x1] =	wrdreg $0xFFFFFFFF  }
0xb1: {  	[dreg:$0x0] =	wrdreg $0x60  }
0xb2: {  	[dreg:$0x2] =	wrdreg s2  }
0xb3: {  	[dreg:$0x3] =	wrdreg s18  }
0xb4: {  	[dreg:$0x4] =	wrdreg s4  }
0xb5: {  	[dreg:$0x5] =	wrdreg s5  }
0xb6: {  	[dreg:$0x6] =	wrdreg s6  }
0xb7: {  	[dreg:$0x7] =	wrdreg s24  }
0xb8: {  	[dreg:$0x8] =	wrdreg $0x102000  }
0xb9: {  	[dreg:$0x9] =	wrdreg $0x9  }
0xba: {  	_ =	task.clear_ibuf [dreg:s11], $0xAFFFF;
	_ =	strace $0x90000046  }
0xbb: {  	s29 =	simm.s32 $0x9;
	_ =	strace $0x80000048  }
0xbc: {  	_ =	swait.ge [sflag:s29], $0x1  }
0xbd: {  	[sflag:s29] =	ssyncadd.s32 $0xFFFFFFFF  }
0xbe: {  	_ =	strace $0x90000048  }
0xbf: {  	_ =	sfence  }
0xc0: {  	s30 =	sld [smem:$0x0];
	_ =	sdelay $0x2  }
0xc1: {  	s31 =	sshll.u32 s1, $0xD;
	s1 =	sshrl.u32 s1, $0x2  }
0xc2: {  	s3 =	sand.u32 $0x4000, s31;
	s1 =	sadd.s32 s1, s30  }
0xc3: {  	s0 =	sor.u32 s3, s0;
	s1 =	sshll.u32 s1, $0x11  }
0xc4: {  	s0 =	sor.u32 s1, s0  }
0xc5: {  	s0 =	sadd.s32 $0x8F2B, s0  }
0xc6: {  	[sflag:s0] =	ssyncadd.remote.s32 $0x1  }
0xc7: {  	_ =	sfence.sel $0xFFFF  }
0xc8: {  	[dreg:$0x0] =	wrdreg $0xFFFFFFFF;
	(pc) =	sbr.abs _section_cstart, $3  }
0xc9: {  	[dreg:$0x1] =	wrdreg $0xFFFFFFFF  }
0xca: {  	_ =	task.clear_ibuf [dreg:s11], $0x2FFFF;
	_ =	strace $0x9FFFFFFF  }
0xcb: {  	(tm) =	ssettm $0x7FFFFFFF  }
tec
execute0_lowered:
.L_overlay_start_1:
0x0: {  	(tag) =	ssettag $0x1  }
0x1: {  	s4 =	rddreg [dreg:$0x0]  }
0x2: {  	s5 =	rddreg [dreg:$0x1]  }
0x3: {  	s2 =	rddreg [dreg:$0x2]  }
0x4: {  	s8 =	rddreg [dreg:$0x3]  }
0x5: {  	s9 =	rddreg [dreg:$0x4]  }
0x6: {  	s6 =	rddreg [dreg:$0x5]  }
0x7: {  	s3 =	rddreg [dreg:$0x6]  }
0x8: {  	s0 =	rddreg [dreg:$0x7]  }
0x9: {  	s1 =	simm.s32 $0x0;
	s7 =	srdreg.scid;
	s10 =	stileid.u32  }
0xa: {  	s22 =	simm.s32 $0x7;
	s20 =	simm.s32 $0x100;
	s19 =	simm.s32 $0x80  }
0xb: {  	s14 =	simm.s32 $0x8200;
	s24 =	simm.s32 $0x180;
	s7 =	sand.u32 $0x1, s7  }
0xc: {  	s23 =	simm.s32 $0x1;
	s21 =	simm.s32 $0x3;
	s11 =	ssub.s32 $0x2, s7  }
0xd: {  	s17 =	simm.s32 $0x2;
	s15 =	simm.s32 $0x4;
	s26 =	sshrl.u32 s11, $0x1  }
0xe: {  	p1 =	por $0x0, $0x0;
	[smem:$0x7FF] =	sst s1;
	s11 =	ssub.s32 s11, s26  }
0xf: {  	s12 =	sshll.u32 s10, $0x1;
	s13 =	sadd.s32 $0x2000, s6;
	s31 =	smax.u32 s11, $0x1  }
0x10: {  	p0 =	sne.s32 s10, $0x0;
	s10 =	simm.s32 $0x4200;
	s29 =	sadd.s32 $0xFFFFFFFF, s31  }
0x11: {  	_ =	strace $0x80000047;
	s7 =	sor.u32 s7, s12;
	p2 =	sne.s32 s29, $0x0  }
.Ltmp0:
0x12: {  	s25 =	sshrl.u32 @!p0 s3, $0x3;
	s28 =	sshll.u32 s7, $0x5;
	(pc) =	sbr.rel @!p2 .LBB2_3-.Ltmp0, $4  }
0x13: {  	s12 =	simm.s32 $0x5;
	s7 =	sshll.u32 s7, $0xC;
	s18 =	sadd.s32 s4, s28  }
0x14: {  	s16 =	sadd.s32 s5, s28;
	s30 =	sor.u32 $0x800, s7;
	s6 =	sadd.s32 s9, s7  }
0x15: {  	s7 =	sadd.s32 s13, s7;
	s4 =	sadd.s32 s9, s30;
	s5 =	sadd.s32 s13, s30  }
0x16: {  	s13 =	simm.s32 $0x200;
	s11 =	simm.s32 $0xC200;
	s9 =	simm.s32 $0x6  }
0x17: {  	s26 =	simm.s32 @!p0 $0x1C07;
	s28 =	simm.s32 @!p0 $0x7  }
0x18: {  	[spmem:s25], [sflag:s26] =	dma.local @!p0 [hbm:s8], $0x3E90  }
0x19: {  	_ =	swait.ge @!p0 [sflag:s28], $0x3E90  }
0x1a: {  	[sflag:s28] =	ssyncset.done @!p0 $0x0  }
0x1b: {  	[sflag:s28] =	ssyncadd.s32 @!p0 $0xFFFFC170  }
0x1c: {  	[tilespmem:s1], [sflag:$0x7] =	stream.linear.gather [hbm4b:s18+s1], $0x100, $0x38;
	[tilespmem:$0x12148] =	vst v63  }
0x1d: {  	_ =	swait.ge [sflag:s22], $0x100  }
0x1e: {  	[sflag:s22] =	ssyncset.done $0x0  }
0x1f: {  	[sflag:s22] =	ssyncadd.s32 $0xFFFFFF00  }
0x20: {  	[tilespmem:s20], [sflag:$0x7] =	stream.linear.gather [hbm4b:s16+s1], $0x100, $0x38;
	[tilespmem:$0x12148] =	vst v63  }
0x21: {  	_ =	swait.ge [sflag:s22], $0x100  }
0x22: {  	[sflag:s22] =	ssyncset.done $0x0  }
0x23: {  	[sflag:s22] =	ssyncadd.s32 $0xFFFFFF00  }
0x24: {  	[bflag:$0x0] =	sbarrier.arrive $0xFFFF  }
0x25: {  	[tilespmem:s13], [sflag:$0x1] =	stream.indirect.gather [hbm4b:s2+s19], $0x80, s1, s19, $0xb8;
	[tilespmem:$0x12148] =	vst v63  }
0x26: {  	_ = 	snop  }
0x27: {  	[tilespmem:s14], [sflag:$0x3] =	stream.indirect.gather [spmem:s3], $0x80, s20, s19, $0xb8;
	[tilespmem:$0x12148] =	vst v63  }
0x28: {  	_ = 	snop  }
0x29: {  	[tilespmem:s10], [sflag:$0x2] =	stream.indirect.gather [hbm4b:s2+s19], $0x80, s19, s19, $0xb8;
	[tilespmem:$0x12148] =	vst v63  }
0x2a: {  	_ = 	snop  }
0x2b: {  	[tilespmem:s11], [sflag:$0x4] =	stream.indirect.gather [spmem:s3], $0x80, s24, s19, $0xb8;
	[tilespmem:$0x12148] =	vst v63  }
0x2c: {  	_ =	swait.ge [sflag:s23], $0x4000  }
0x2d: {  	[sflag:s23] =	ssyncset.done $0x0  }
0x2e: {  	[sflag:s23] =	ssyncadd.s32 $0xFFFFC000  }
0x2f: {  	_ =	swait.ge [sflag:s21], $0x4000  }
0x30: {  	[sflag:s21] =	ssyncset.done $0x0  }
0x31: {  	[sflag:s21] =	ssyncadd.s32 $0xFFFFC000  }
0x32: {  	[hbm4b:s6+s1] =	stream.linear.scatter [tilespmem:s13], [sflag:$0x5], $0x4000, $0x38;
	[tilespmem:$0x12148] =	vst v63  }
0x33: {  	_ = 	snop  }
0x34: {  	[hbm4b:s7+s1] =	stream.linear.scatter [tilespmem:s14], [sflag:$0x5], $0x4000, $0x38;
	[tilespmem:$0x12148] =	vst v63  }
0x35: {  	_ =	swait.ge [sflag:s17], $0x4000  }
0x36: {  	[sflag:s17] =	ssyncset.done $0x0  }
0x37: {  	[sflag:s17] =	ssyncadd.s32 $0xFFFFC000  }
0x38: {  	_ =	swait.ge [sflag:s15], $0x4000  }
0x39: {  	[sflag:s15] =	ssyncset.done $0x0  }
0x3a: {  	[sflag:s15] =	ssyncadd.s32 $0xFFFFC000  }
0x3b: {  	[hbm4b:s4+s1] =	stream.linear.scatter [tilespmem:s10], [sflag:$0x6], $0x4000, $0x38;
	[tilespmem:$0x12148] =	vst v63  }
0x3c: {  	_ = 	snop  }
0x3d: {  	[hbm4b:s5+s1] =	stream.linear.scatter [tilespmem:s11], [sflag:$0x6], $0x4000, $0x38;
	[tilespmem:$0x12148] =	vst v63  }
0x3e: {  	_ =	swait.ge [sflag:s12], $0x4000  }
0x3f: {  	[sflag:s12] =	ssyncset.done $0x0  }
0x40: {  	[sflag:s12] =	ssyncadd.s32 $0xFFFFC000  }
0x41: {  	_ =	swait.ge [sflag:s12], $0x4000  }
0x42: {  	s29 =	sadd.s32 $0xFFFFFFFF, s29;
	[sflag:s12] =	ssyncset.done $0x0  }
0x43: {  	p2 =	sne.s32 s29, $0x0;
	[sflag:s12] =	ssyncadd.s32 $0xFFFFC000  }
.Ltmp1:
0x44: {  	_ =	swait.ge [sflag:s9], $0x4000;
	(pc) =	sbr.rel @!p2 .LBB2_3-.Ltmp1, $4  }
0x45: {  	[sflag:s9] =	ssyncset.done $0x0  }
0x46: {  	[sflag:s9] =	ssyncadd.s32 $0xFFFFC000  }
0x47: {  	_ =	swait.ge [sflag:s9], $0x4000  }
0x48: {  	p1 =	por $0x1, $0x1;
	[sflag:s9] =	ssyncset.done $0x0  }
.LBB2_2:
0x49: {  	[sflag:s9] =	ssyncadd.s32 $0xFFFFC000  }
0x4a: {  	[spmem:s25], [sflag:s26] =	dma.local @!p0 [hbm:s8], $0x3E90  }
0x4b: {  	s29 =	sadd.s32 $0xFFFFFFFF, s29;
	_ =	swait.ge @!p0 [sflag:s28], $0x3E90  }
0x4c: {  	p2 =	sne.s32 s29, $0x0;
	[sflag:s28] =	ssyncset.done @!p0 $0x0  }
0x4d: {  	[sflag:s28] =	ssyncadd.s32 @!p0 $0xFFFFC170  }
0x4e: {  	[tilespmem:s1], [sflag:$0x7] =	stream.linear.gather [hbm4b:s18+s1], $0x100, $0x38;
	[tilespmem:$0x12148] =	vst v63  }
0x4f: {  	_ =	swait.ge [sflag:s22], $0x100  }
0x50: {  	[sflag:s22] =	ssyncset.done $0x0  }
0x51: {  	[sflag:s22] =	ssyncadd.s32 $0xFFFFFF00  }
0x52: {  	[tilespmem:s20], [sflag:$0x7] =	stream.linear.gather [hbm4b:s16+s1], $0x100, $0x38;
	[tilespmem:$0x12148] =	vst v63  }
0x53: {  	_ =	swait.ge [sflag:s22], $0x100  }
0x54: {  	[sflag:s22] =	ssyncset.done $0x0  }
0x55: {  	[sflag:s22] =	ssyncadd.s32 $0xFFFFFF00  }
0x56: {  	[bflag:$0x0] =	sbarrier.arrive $0xFFFF  }
0x57: {  	[tilespmem:s13], [sflag:$0x1] =	stream.indirect.gather [hbm4b:s2+s19], $0x80, s1, s19, $0xb8;
	[tilespmem:$0x12148] =	vst v63  }
0x58: {  	_ = 	snop  }
0x59: {  	[tilespmem:s14], [sflag:$0x3] =	stream.indirect.gather [spmem:s3], $0x80, s20, s19, $0xb8;
	[tilespmem:$0x12148] =	vst v63  }
0x5a: {  	_ = 	snop  }
0x5b: {  	[tilespmem:s10], [sflag:$0x2] =	stream.indirect.gather [hbm4b:s2+s19], $0x80, s19, s19, $0xb8;
	[tilespmem:$0x12148] =	vst v63  }
0x5c: {  	_ = 	snop  }
0x5d: {  	[tilespmem:s11], [sflag:$0x4] =	stream.indirect.gather [spmem:s3], $0x80, s24, s19, $0xb8;
	[tilespmem:$0x12148] =	vst v63  }
0x5e: {  	_ =	swait.ge [sflag:s23], $0x4000  }
0x5f: {  	[sflag:s23] =	ssyncset.done $0x0  }
0x60: {  	[sflag:s23] =	ssyncadd.s32 $0xFFFFC000  }
0x61: {  	_ =	swait.ge [sflag:s21], $0x4000  }
0x62: {  	[sflag:s21] =	ssyncset.done $0x0  }
0x63: {  	[sflag:s21] =	ssyncadd.s32 $0xFFFFC000  }
0x64: {  	[hbm4b:s6+s1] =	stream.linear.scatter [tilespmem:s13], [sflag:$0x5], $0x4000, $0x38;
	[tilespmem:$0x12148] =	vst v63  }
0x65: {  	_ = 	snop  }
0x66: {  	[hbm4b:s7+s1] =	stream.linear.scatter [tilespmem:s14], [sflag:$0x5], $0x4000, $0x38;
	[tilespmem:$0x12148] =	vst v63  }
0x67: {  	_ =	swait.ge [sflag:s17], $0x4000  }
0x68: {  	[sflag:s17] =	ssyncset.done $0x0  }
0x69: {  	[sflag:s17] =	ssyncadd.s32 $0xFFFFC000  }
0x6a: {  	_ =	swait.ge [sflag:s15], $0x4000  }
0x6b: {  	[sflag:s15] =	ssyncset.done $0x0  }
0x6c: {  	[sflag:s15] =	ssyncadd.s32 $0xFFFFC000  }
0x6d: {  	[hbm4b:s4+s1] =	stream.linear.scatter [tilespmem:s10], [sflag:$0x6], $0x4000, $0x38;
	[tilespmem:$0x12148] =	vst v63  }
0x6e: {  	_ = 	snop  }
0x6f: {  	[hbm4b:s5+s1] =	stream.linear.scatter [tilespmem:s11], [sflag:$0x6], $0x4000, $0x38;
	[tilespmem:$0x12148] =	vst v63  }
0x70: {  	_ =	swait.ge [sflag:s12], $0x4000  }
0x71: {  	[sflag:s12] =	ssyncset.done $0x0  }
0x72: {  	[sflag:s12] =	ssyncadd.s32 $0xFFFFC000  }
0x73: {  	_ =	swait.ge [sflag:s12], $0x4000  }
0x74: {  	[sflag:s12] =	ssyncset.done $0x0  }
0x75: {  	[sflag:s12] =	ssyncadd.s32 $0xFFFFC000  }
.Ltmp2:
0x76: {  	_ =	swait.ge [sflag:s9], $0x4000;
	(pc) =	sbr.rel @p2 .LBB2_2-.Ltmp2, $4  }
0x77: {  	[sflag:s9] =	ssyncset.done $0x0  }
0x78: {  	[sflag:s9] =	ssyncadd.s32 $0xFFFFC000  }
0x79: {  	_ =	swait.ge [sflag:s9], $0x4000  }
0x7a: {  	[sflag:s9] =	ssyncset.done $0x0  }
.LBB2_3:
0x7b: {  	[sflag:s9] =	ssyncadd.s32 @p1 $0xFFFFC000;
	s26 =	simm.s32 @!p0 $0x1C07  }
0x7c: {  	[spmem:s25], [sflag:s26] =	dma.local @!p0 [hbm:s8], $0x3E90  }
0x7d: {  	s8 =	simm.s32 @!p0 $0x7  }
0x7e: {  	_ =	swait.ge @!p0 [sflag:s8], $0x3E90  }
0x7f: {  	[sflag:s8] =	ssyncset.done @!p0 $0x0  }
0x80: {  	[sflag:s8] =	ssyncadd.s32 @!p0 $0xFFFFC170  }
0x81: {  	[tilespmem:s1], [sflag:$0x7] =	stream.linear.gather [hbm4b:s18+s1], $0x100, $0x38;
	[tilespmem:$0x12148] =	vst v63  }
0x82: {  	_ =	swait.ge [sflag:s22], $0x100  }
0x83: {  	[sflag:s22] =	ssyncset.done $0x0  }
0x84: {  	[sflag:s22] =	ssyncadd.s32 $0xFFFFFF00  }
0x85: {  	[tilespmem:s20], [sflag:$0x7] =	stream.linear.gather [hbm4b:s16+s1], $0x100, $0x38;
	[tilespmem:$0x12148] =	vst v63  }
0x86: {  	_ =	swait.ge [sflag:s22], $0x100  }
0x87: {  	[sflag:s22] =	ssyncset.done $0x0  }
0x88: {  	[sflag:s22] =	ssyncadd.s32 $0xFFFFFF00  }
0x89: {  	[bflag:$0x0] =	sbarrier.arrive $0xFFFF  }
0x8a: {  	[tilespmem:s13], [sflag:$0x1] =	stream.indirect.gather [hbm4b:s2+s19], $0x80, s1, s19, $0xb8;
	[tilespmem:$0x12148] =	vst v63  }
0x8b: {  	_ = 	snop  }
0x8c: {  	[tilespmem:s14], [sflag:$0x3] =	stream.indirect.gather [spmem:s3], $0x80, s20, s19, $0xb8;
	[tilespmem:$0x12148] =	vst v63  }
0x8d: {  	_ = 	snop  }
0x8e: {  	[tilespmem:s10], [sflag:$0x2] =	stream.indirect.gather [hbm4b:s2+s19], $0x80, s19, s19, $0xb8;
	[tilespmem:$0x12148] =	vst v63  }
0x8f: {  	_ = 	snop  }
0x90: {  	[tilespmem:s11], [sflag:$0x4] =	stream.indirect.gather [spmem:s3], $0x80, s24, s19, $0xb8;
	[tilespmem:$0x12148] =	vst v63  }
0x91: {  	_ =	swait.ge [sflag:s23], $0x4000  }
0x92: {  	[sflag:s23] =	ssyncset.done $0x0  }
0x93: {  	[sflag:s23] =	ssyncadd.s32 $0xFFFFC000  }
0x94: {  	_ =	swait.ge [sflag:s21], $0x4000  }
0x95: {  	[sflag:s21] =	ssyncset.done $0x0  }
0x96: {  	[sflag:s21] =	ssyncadd.s32 $0xFFFFC000  }
0x97: {  	[hbm4b:s6+s1] =	stream.linear.scatter [tilespmem:s13], [sflag:$0x5], $0x4000, $0x38;
	[tilespmem:$0x12148] =	vst v63  }
0x98: {  	_ = 	snop  }
0x99: {  	[hbm4b:s7+s1] =	stream.linear.scatter [tilespmem:s14], [sflag:$0x5], $0x4000, $0x38;
	[tilespmem:$0x12148] =	vst v63  }
0x9a: {  	_ =	swait.ge [sflag:s17], $0x4000  }
0x9b: {  	[sflag:s17] =	ssyncset.done $0x0  }
0x9c: {  	[sflag:s17] =	ssyncadd.s32 $0xFFFFC000  }
0x9d: {  	_ =	swait.ge [sflag:s15], $0x4000  }
0x9e: {  	[sflag:s15] =	ssyncset.done $0x0  }
0x9f: {  	[sflag:s15] =	ssyncadd.s32 $0xFFFFC000  }
0xa0: {  	[hbm4b:s4+s1] =	stream.linear.scatter [tilespmem:s10], [sflag:$0x6], $0x4000, $0x38;
	[tilespmem:$0x12148] =	vst v63  }
0xa1: {  	_ = 	snop  }
0xa2: {  	[hbm4b:s5+s1] =	stream.linear.scatter [tilespmem:s11], [sflag:$0x6], $0x4000, $0x38;
	[tilespmem:$0x12148] =	vst v63  }
0xa3: {  	_ =	swait.ge [sflag:s12], $0x4000  }
0xa4: {  	[sflag:s12] =	ssyncset.done $0x0  }
0xa5: {  	[sflag:s12] =	ssyncadd.s32 $0xFFFFC000  }
0xa6: {  	_ =	swait.ge [sflag:s12], $0x4000  }
0xa7: {  	[sflag:s12] =	ssyncset.done $0x0  }
0xa8: {  	[sflag:s12] =	ssyncadd.s32 $0xFFFFC000  }
0xa9: {  	_ =	swait.ge [sflag:s9], $0x4000  }
0xaa: {  	[sflag:s9] =	ssyncset.done $0x0  }
0xab: {  	[sflag:s9] =	ssyncadd.s32 $0xFFFFC000  }
0xac: {  	_ =	swait.ge [sflag:s9], $0x4000  }
0xad: {  	[sflag:s9] =	ssyncset.done $0x0  }
0xae: {  	[sflag:s9] =	ssyncadd.s32 $0xFFFFC000  }
0xaf: {  	_ =	sfence.sel $0x180000  }
0xb0: {  	[bflag:$0x0] =	sbarrier.arrive $0xFFFF  }
0xb1: {  	_ =	strace $0x90000047  }
0xb2: {  	s0 =	sadd.s32 @!p0 $0x100000, s0;
	[bflag:$0x2] =	sbarrier.arrive $0xFFFF  }
0xb3: {  	[sflag:s0] =	ssyncadd.tile.s32 @!p0 $0x1;
	_ =	shalt  }
.Lfunc_end2:
_tile_overlayer_lowered:
.L_overlay_start_2:
0xb4: {  	(tag) =	ssettag $0x2  }
0xb5: {  	s0 =	rddreg [dreg:$0x0];
	s2 =	stileid.u32  }
0xb6: {  	s1 =	rddreg [dreg:$0x1];
	p0 =	sne.s32 s2, $0x0  }
0xb7: {  	s3 =	rddreg [dreg:$0x2];
	[bflag:$0x3] =	sbarrier.arrive $0xFFFF;
	s2 =	simm.s32 @!p0 $0x1C07  }
0xb8: {  	[timem:s3], [sflag:s2] =	dma.local @!p0 [hbm:s0], s1  }
0xb9: {  	s0 =	simm.s32 @!p0 $0x7  }
0xba: {  	_ =	swait.ge @!p0 [sflag:s0], s1  }
0xbb: {  	s1 =	ssub.s32 @!p0 $0x0, s1;
	[sflag:s0] =	ssyncset.done @!p0 $0x0  }
0xbc: {  	[sflag:s0] =	ssyncadd.s32 @!p0 s1  }
0xbd: {  	[bflag:$0x3] =	sbarrier.arrive $0xFFFF  }
0xbe: {  	_ =	shalt  }

// kernel: kernel.9.cloned.1.call-start
scs
__scs_entry_jumppad:
0x0: {  	(pc) =	sbr.rel $0x88, $3  }
0x1: {  	(tag) =	ssettag $0x0;
	lr =	simm.s32 $0x1  }
0x2: {  	[smem:$0x3F99] =	sst lr;
	_ =	strace $0xD0000000  }
0x3: {  	_ = 	snop  }
0x4: {  	_ = 	snop  }
0x5: {  	_ = 	snop  }
0x6: {  	_ = 	snop  }
0x7: {  	_ = 	snop  }
__scs_overlays_trampoline_lowered:
0x8: {  	[smem:$0x3FA8] =	sst s0  }
0x9: {  	[smem:$0x3FA9] =	sst s1  }
0xa: {  	[smem:$0x3FAA] =	sst s2  }
0xb: {  	[smem:$0x3FAB] =	sst s3  }
0xc: {  	[smem:$0x3FAC] =	sst s4  }
0xd: {  	[smem:$0x3FAD] =	sst s5  }
0xe: {  	[smem:$0x3FAE] =	sst s6  }
0xf: {  	[smem:$0x3FAF] =	sst s7  }
0x10: {  	[smem:$0x3FB0] =	sst s8  }
0x11: {  	[smem:$0x3FB1] =	sst s9;
	s0 =	simm.s32 @!p0 $0x0  }
0x12: {  	s1 =	sld [smem:$0x3F97];
	s0 =	simm.s32 @p0 $0x1  }
0x13: {  	[smem:$0x3FB2] =	sst s0;
	s0 =	simm.s32 @!p1 $0x0  }
0x14: {  	s2 =	sld [smem:$0x3F96];
	s0 =	simm.s32 @p1 $0x1  }
0x15: {  	[smem:$0x3FB3] =	sst s0;
	s0 =	simm.s32 @!p2 $0x0  }
0x16: {  	s3 =	sld [smem:$0x3FDB];
	s0 =	simm.s32 @p2 $0x1  }
0x17: {  	s4 =	simm.s32 $0x1BF5;
	[smem:$0x3FB5] =	sst s0  }
0x18: {  	s0 =	sld [smem:$0x3F98];
	_ =	swait.ge [sflag:s4], $0x0  }
0x19: {  	s7 =	sld [smem:$0x3F99]  }
0x1a: {  	s8 =	sadd.s32 $0xFFFFE003, lr  }
0x1b: {  	s9 =	sadd.s32 $0xFFFFFEF7, lr;
	s5 =	simm.s32 $0xFFFFFFFF;
	p2 =	slt.u32 s8, $0xFFFFF086  }
0x1c: {  	p1 =	slt.u32 s9, $0xF7A;
	s5 =	simm.s32 @!p2 $0x0  }
0x1d: {  	s5 =	simm.s32 @p1 $0x1;
	p0 =	seq.s32 s7, s2  }
0x1e: {  	s7 =	smul.u32 @!p0 $0xF7A, s2;
	p2 =	seq.s32 @!p0 s5, $0x0  }
0x1f: {  	s9 =	smul.u32 $0xF7A, s1;
	s8 =	simm.s32 @!p0 $0x1BF5;
	p2 =	por !p2, p0  }
0x20: {  	[sflag:s8] =	ssyncset.s32 @!p0 $0xFFFFF086;
	s6 =	sadd.s32 @!p0 s3, s7;
	s7 =	simm.s32 @!p0 $0x108  }
0x21: {  	s3 =	sadd.s32 s3, s9;
	s6 =	sadd.s32 @!p0 $0x88, s6;
	s7 =	simm.s32 @p2 $0x1082  }
0x22: {  	[simem:s7], [sflag:s8] =	dma.local @!p0 [hbm:s6], $0xF7A  }
0x23: {  	s9 =	sor.u32 $0xD0000000, s2;
	s6 =	simm.s32 $0x108;
	_ =	swait.ge @!p0 [sflag:s8], $0x0  }
0x24: {  	s3 =	sadd.s32 $0x88, s3;
	s6 =	simm.s32 @!p1 $0x1082;
	[sflag:s4] =	ssyncset.s32 $0xFFFFF086  }
0x25: {  	[simem:s6], [sflag:s4] =	dma.local [hbm:s3], $0xF7A  }
0x26: {  	[smem:$0x3F99] =	sst s1;
	(tag) =	ssettag s2;
	_ =	strace s9  }
0x27: {  	s1 =	sld [smem:$0x3FA9]  }
0x28: {  	s2 =	sld [smem:$0x3FAA]  }
0x29: {  	s4 =	sld [smem:$0x3FAC]  }
0x2a: {  	p0 =	seq.s32 s5, $0x0;
	s5 =	sld [smem:$0x3FAD]  }
0x2b: {  	s6 =	sld [smem:$0x3FAE]  }
0x2c: {  	s7 =	sld [smem:$0x3FAF]  }
0x2d: {  	s3 =	simm.s32 $0x108;
	s8 =	sld [smem:$0x3FB0]  }
0x2e: {  	s3 =	simm.s32 @!p0 $0x1082;
	s9 =	sld [smem:$0x3FB1]  }
0x2f: {  	lr =	sadd.s32 s0, s3;
	s0 =	sld [smem:$0x3FA8]  }
0x30: {  	s3 =	sld [smem:$0x3FAB]  }
0x31: {  	[smem:$0x3FB4] =	sst s10  }
0x32: {  	s10 =	sld [smem:$0x3FB2];
	_ =	sdelay $0x3  }
0x33: {  	p0 =	seq.s32 s10, $0x1;
	s10 =	sld [smem:$0x3FB4];
	_ =	sdelay $0x3  }
0x34: {  	[smem:$0x3FB4] =	sst s10  }
0x35: {  	s10 =	sld [smem:$0x3FB3];
	_ =	sdelay $0x3  }
0x36: {  	p1 =	seq.s32 s10, $0x1;
	s10 =	sld [smem:$0x3FB4];
	_ =	sdelay $0x3  }
0x37: {  	[smem:$0x3FB4] =	sst s10  }
0x38: {  	s10 =	sld [smem:$0x3FB5]  }
0x39: {  	_ = 	snop;
	(pc) =	sbr.ind lr, $3  }
0x3a: {  	_ = 	snop  }
0x3b: {  	_ = 	snop  }
0x3c: {  	p2 =	seq.s32 s10, $0x1;
	s10 =	sld [smem:$0x3FB4]  }
0x3d: {  	_ =	shalt  }
0x3e: {  	_ =	shalt  }
0x3f: {  	_ =	shalt  }
0x40: {  	_ =	shalt  }
0x41: {  	_ =	shalt  }
0x42: {  	_ =	shalt  }
0x43: {  	_ =	shalt  }
0x44: {  	_ =	shalt  }
0x45: {  	_ =	shalt  }
0x46: {  	_ =	shalt  }
0x47: {  	_ =	shalt  }
0x48: {  	_ =	shalt  }
0x49: {  	_ =	shalt  }
0x4a: {  	_ =	shalt  }
0x4b: {  	_ =	shalt  }
0x4c: {  	_ =	shalt  }
0x4d: {  	_ =	shalt  }
0x4e: {  	_ =	shalt  }
0x4f: {  	_ =	shalt  }
0x50: {  	_ =	shalt  }
0x51: {  	_ =	shalt  }
0x52: {  	_ =	shalt  }
0x53: {  	_ =	shalt  }
0x54: {  	_ =	shalt  }
0x55: {  	_ =	shalt  }
0x56: {  	_ =	shalt  }
0x57: {  	_ =	shalt  }
0x58: {  	_ =	shalt  }
0x59: {  	_ =	shalt  }
0x5a: {  	_ =	shalt  }
0x5b: {  	_ =	shalt  }
0x5c: {  	_ =	shalt  }
0x5d: {  	_ =	shalt  }
0x5e: {  	_ =	shalt  }
0x5f: {  	_ =	shalt  }
0x60: {  	_ =	shalt  }
0x61: {  	_ =	shalt  }
0x62: {  	_ =	shalt  }
0x63: {  	_ =	shalt  }
0x64: {  	_ =	shalt  }
0x65: {  	_ =	shalt  }
0x66: {  	_ =	shalt  }
0x67: {  	_ =	shalt  }
0x68: {  	_ =	shalt  }
0x69: {  	_ =	shalt  }
0x6a: {  	_ =	shalt  }
0x6b: {  	_ =	shalt  }
0x6c: {  	_ =	shalt  }
0x6d: {  	_ =	shalt  }
0x6e: {  	_ =	shalt  }
0x6f: {  	_ =	shalt  }
0x70: {  	_ =	shalt  }
0x71: {  	_ =	shalt  }
0x72: {  	_ =	shalt  }
0x73: {  	_ =	shalt  }
0x74: {  	_ =	shalt  }
0x75: {  	_ =	shalt  }
0x76: {  	_ =	shalt  }
0x77: {  	_ =	shalt  }
0x78: {  	_ =	shalt  }
0x79: {  	_ =	shalt  }
0x7a: {  	_ =	shalt  }
0x7b: {  	_ =	shalt  }
0x7c: {  	_ =	shalt  }
0x7d: {  	_ =	shalt  }
0x7e: {  	_ =	shalt  }
0x7f: {  	_ =	shalt  }
0x80: {  	_ =	shalt  }
0x81: {  	_ =	shalt  }
0x82: {  	_ =	shalt  }
0x83: {  	_ =	shalt  }
0x84: {  	_ =	shalt  }
0x85: {  	_ =	shalt  }
0x86: {  	_ =	shalt  }
0x87: {  	_ =	shalt  }
.Lfunc_end0:
.L_simem_size_0:
called_computation.1_lowered:
.L_overlay_start_0:
0x88: {  	s2 =	sld [smem:$0x3FD9]  }
0x89: {  	s3 =	sld [smem:$0x3FFE];
	_ =	sdelay $0x1  }
0x8a: {  	s1 =	srdreg.scid  }
0x8b: {  	s0 =	sand.u32 $0x1, s1  }
0x8c: {  	s17 =	sshll.u32 s0, $0xA;
	s2 =	sadd.s32 s3, s2  }
0x8d: {  	s2 =	sadd.s32 s2, s17  }
0x8e: {  	[smem:$0x3FC0] =	sst s2  }
0x8f: {  	_ = 	snop  }
0x90: {  	s18 =	sld [smem:$0x3FC9]  }
0x91: {  	s4 =	sld [smem:$0x3FC8]  }
0x92: {  	s5 =	sld [smem:$0x3FC7]  }
0x93: {  	s6 =	sld [smem:$0x3FC6];
	(tm) =	ssettm $0x1  }
0x94: {  	s19 =	sld [smem:$0x3FFB];
	_ =	sdelay $0x3  }
0x95: {  	_ =	strace s19  }
0x96: {  	s2 =	sld [smem:$0x3FFC];
	_ =	sdelay $0x3  }
0x97: {  	_ =	strace s2  }
0x98: {  	s2 =	sld [smem:$0x3FFD];
	_ =	sdelay $0x3  }
0x99: {  	_ =	strace s2  }
0x9a: {  	_ =	strace $0x8FFFFFFF  }
0x9b: {  	s20 =	sld [smem:$0x3FDB];
	_ =	sdelay $0x1  }
0x9c: {  	s7 =	simm.s32 $_scs_section_size  }
0x9d: {  	s8 =	simm.s32 $_size__tile_overlayer_lowered;
	s9 =	simm.s32 $_tile_overlayer_lowered  }
0x9e: {  	s10 =	simm.s32 $0x1BFF;
	s21 =	sshll.u32 s9, $0x1;
	s7 =	sadd.s32 s7, s20  }
0x9f: {  	s22 =	simm.s32 $0x0;
	s8 =	sshll.u32 s8, $0x1;
	s9 =	sadd.s32 s21, s7  }
0xa0: {  	[timem:s22], [sflag:s10] =	dma.local [hbm:s9], s8  }
0xa1: {  	_ =	swait.ge [sflag:s10], s8  }
0xa2: {  	s8 =	ssub.s32 $0x0, s8;
	[sflag:s10] =	ssyncset.done $0x0  }
0xa3: {  	[sflag:s10] =	ssyncadd.s32 s8;
	_ =	sdelay $0x1  }
0xa4: {  	s23 =	simm.s32 $0x1B8B  }
0xa5: {  	_ =	swait.ge [sflag:s23], $0x1  }
0xa6: {  	[sflag:s23] =	ssyncset.done $0x0  }
0xa7: {  	[sflag:s23] =	ssyncadd.s32 $0xFFFFFFFF  }
0xa8: {  	s8 =	sld [smem:$0x0]  }
0xa9: {  	s9 =	sand.u32 $0xFFFFFFFE, s1  }
0xaa: {  	p0 =	sne.s32 s1, s9  }
0xab: {  	s9 =	sshll.u32 @p0 s9, $0xE  }
0xac: {  	s9 =	sadd.s32 @p0 $0x11B8D, s9;
	s10 =	sshll.u32 @p0 s8, $0x11  }
0xad: {  	s9 =	sor.u32 @p0 s10, s9  }
0xae: {  	[sflag:s9] =	ssyncadd.remote.s32 @p0 $0x1;
	_ =	sdelay $0x1  }
0xaf: {  	s9 =	simm.s32 @p0 $0x1B8D  }
0xb0: {  	_ =	swait.eq @p0 [sflag:s9], $0x1  }
0xb1: {  	[sflag:s9] =	ssyncadd.s32 @p0 $0xFFFFFFFF  }
0xb2: {  	s10 =	sshll.u32 @!p0 s1, $0xE  }
0xb3: {  	s10 =	sor.u32 @!p0 $0x4000, s10;
	s9 =	simm.s32 @!p0 $0x1B8D  }
0xb4: {  	s8 =	sshll.u32 @!p0 s8, $0x11;
	s10 =	sadd.s32 @!p0 $0x11B8D, s10;
	_ =	swait.eq @!p0 [sflag:s9], $0x1  }
0xb5: {  	s8 =	sor.u32 @!p0 s8, s10;
	[sflag:s9] =	ssyncadd.s32 @!p0 $0xFFFFFFFF  }
0xb6: {  	s25 =	simm.s32 $0x1B8E;
	s24 =	sld [smem:$0x3FFE];
	[sflag:s8] =	ssyncadd.remote.s32 @!p0 $0x1  }
0xb7: {  	s26 =	simm.s32 $execute0_lowered;
	[smem:$0x3FD2] =	sst s25  }
0xb8: {  	s9 =	sshll.u32 s26, $0x1;
	_ =	strace $0x80000049;
	[dreg:$0x1] =	wrdreg $0xFFFFFFFF  }
0xb9: {  	s28 =	simm.s32 $_size_execute0_lowered;
	s7 =	sadd.s32 s7, s9;
	[dreg:$0x0] =	wrdreg $0x0  }
0xba: {  	s9 =	sshll.u32 s28, $0x1;
	[dreg:$0x2] =	wrdreg s7  }
0xbb: {  	[dreg:$0x3] =	wrdreg s9  }
0xbc: {  	[dreg:$0x4] =	wrdreg $0xC0  }
0xbd: {  	_ =	task [dreg:s22], $0x5FFFF  }
0xbe: {  	[dreg:$0x1] =	wrdreg $0xFFFFFFFF  }
0xbf: {  	[dreg:$0x0] =	wrdreg $0x60  }
0xc0: {  	[dreg:$0x2] =	wrdreg s18  }
0xc1: {  	[dreg:$0x3] =	wrdreg s4  }
0xc2: {  	[dreg:$0x4] =	wrdreg s5  }
0xc3: {  	[dreg:$0x5] =	wrdreg s6  }
0xc4: {  	[dreg:$0x6] =	wrdreg s24  }
0xc5: {  	[dreg:$0x7] =	wrdreg $0x102000  }
0xc6: {  	[dreg:$0x8] =	wrdreg $0xA  }
0xc7: {  	_ =	task.clear_ibuf [dreg:s22], $0x9FFFF;
	_ =	strace $0x90000049  }
0xc8: {  	s29 =	simm.s32 $0xA;
	_ =	strace $0x8000004B  }
0xc9: {  	_ =	swait.ge [sflag:s29], $0x1  }
0xca: {  	[sflag:s29] =	ssyncadd.s32 $0xFFFFFFFF  }
0xcb: {  	_ =	strace $0x9000004B  }
0xcc: {  	_ =	sfence  }
0xcd: {  	s30 =	sld [smem:$0x0];
	_ =	sdelay $0x2  }
0xce: {  	s31 =	sshll.u32 s1, $0xD;
	s1 =	sshrl.u32 s1, $0x2  }
0xcf: {  	s4 =	sand.u32 $0x4000, s31;
	s1 =	sadd.s32 s1, s30  }
0xd0: {  	s0 =	sor.u32 s4, s0;
	s1 =	sshll.u32 s1, $0x11  }
0xd1: {  	s0 =	sor.u32 s1, s0  }
0xd2: {  	s0 =	sadd.s32 $0x8F2B, s0  }
0xd3: {  	[sflag:s0] =	ssyncadd.remote.s32 $0x1  }
0xd4: {  	_ =	sfence.sel $0xFFFF  }
0xd5: {  	[dreg:$0x0] =	wrdreg $0xFFFFFFFF;
	(pc) =	sbr.abs _section_cstart, $3  }
0xd6: {  	[dreg:$0x1] =	wrdreg $0xFFFFFFFF  }
0xd7: {  	_ =	task.clear_ibuf [dreg:s22], $0x2FFFF;
	_ =	strace $0x9FFFFFFF  }
0xd8: {  	(tm) =	ssettm $0x7FFFFFFF  }
0xd9: {  	_ =	shalt  }
tec
execute0_lowered:
.L_overlay_start_1:
0x0: {  	(tag) =	ssettag $0x1  }
0x1: {  	s4 =	rddreg [dreg:$0x0]  }
0x2: {  	s5 =	rddreg [dreg:$0x1]  }
0x3: {  	s2 =	rddreg [dreg:$0x2]  }
0x4: {  	s8 =	rddreg [dreg:$0x3]  }
0x5: {  	s6 =	rddreg [dreg:$0x4]  }
0x6: {  	s3 =	rddreg [dreg:$0x5]  }
0x7: {  	s0 =	rddreg [dreg:$0x6];
	s1 =	simm.s32 $0x0;
	s7 =	srdreg.scid  }
0x8: {  	s9 =	stileid.u32;
	s22 =	simm.s32 $0x7;
	s20 =	simm.s32 $0x100  }
0x9: {  	s19 =	simm.s32 $0x80;
	s14 =	simm.s32 $0x8200;
	s24 =	simm.s32 $0x180  }
0xa: {  	s23 =	simm.s32 $0x1;
	s21 =	simm.s32 $0x3;
	s7 =	sand.u32 $0x1, s7  }
0xb: {  	s17 =	simm.s32 $0x2;
	s15 =	simm.s32 $0x4;
	s12 =	ssub.s32 $0x2, s7  }
0xc: {  	p1 =	por $0x0, $0x0;
	[smem:$0x7FF] =	sst s1;
	s28 =	sshrl.u32 s12, $0x1  }
0xd: {  	s10 =	sshll.u32 s9, $0x1;
	s11 =	sadd.s32 $0x22000, s6;
	s12 =	ssub.s32 s12, s28  }
0xe: {  	s26 =	sadd.s32 $0x42000, s6;
	p0 =	sne.s32 s9, $0x0;
	s12 =	smax.u32 s12, $0x1  }
0xf: {  	s9 =	simm.s32 $0x6;
	_ =	strace $0x8000004A;
	s29 =	sadd.s32 $0xFFFFFFFF, s12  }
0x10: {  	s7 =	sor.u32 s7, s10;
	s25 =	sshrl.u32 @!p0 s3, $0x3;
	p2 =	sne.s32 s29, $0x0  }
.Ltmp0:
0x11: {  	s13 =	sshll.u32 s7, $0x5;
	s7 =	sshll.u32 s7, $0xC;
	(pc) =	sbr.rel @!p2 .LBB2_3-.Ltmp0, $4  }
0x12: {  	s10 =	simm.s32 $0x4200;
	s30 =	sor.u32 $0x400, s13;
	s31 =	sor.u32 $0x800, s7  }
0x13: {  	s6 =	sadd.s32 s11, s7;
	s7 =	sadd.s32 s26, s7;
	s13 =	simm.s32 $0x200  }
0x14: {  	s18 =	sadd.s32 s4, s30;
	s16 =	sadd.s32 s5, s30;
	s4 =	sadd.s32 s11, s31  }
0x15: {  	s5 =	sadd.s32 s26, s31;
	s11 =	simm.s32 $0xC200;
	s12 =	simm.s32 $0x5  }
0x16: {  	s26 =	simm.s32 @!p0 $0x1C07;
	s28 =	simm.s32 @!p0 $0x7  }
0x17: {  	[spmem:s25], [sflag:s26] =	dma.local @!p0 [hbm:s8], $0x3E90  }
0x18: {  	_ =	swait.ge @!p0 [sflag:s28], $0x3E90  }
0x19: {  	[sflag:s28] =	ssyncset.done @!p0 $0x0  }
0x1a: {  	[sflag:s28] =	ssyncadd.s32 @!p0 $0xFFFFC170  }
0x1b: {  	[tilespmem:s1], [sflag:$0x7] =	stream.linear.gather [hbm4b:s18+s1], $0x100, $0x38;
	[tilespmem:$0x12148] =	vst v63  }
0x1c: {  	_ =	swait.ge [sflag:s22], $0x100  }
0x1d: {  	[sflag:s22] =	ssyncset.done $0x0  }
0x1e: {  	[sflag:s22] =	ssyncadd.s32 $0xFFFFFF00  }
0x1f: {  	[tilespmem:s20], [sflag:$0x7] =	stream.linear.gather [hbm4b:s16+s1], $0x100, $0x38;
	[tilespmem:$0x12148] =	vst v63  }
0x20: {  	_ =	swait.ge [sflag:s22], $0x100  }
0x21: {  	[sflag:s22] =	ssyncset.done $0x0  }
0x22: {  	[sflag:s22] =	ssyncadd.s32 $0xFFFFFF00  }
0x23: {  	[bflag:$0x0] =	sbarrier.arrive $0xFFFF  }
0x24: {  	[tilespmem:s13], [sflag:$0x1] =	stream.indirect.gather [hbm4b:s2+s19], $0x80, s1, s19, $0xb8;
	[tilespmem:$0x12148] =	vst v63  }
0x25: {  	_ = 	snop  }
0x26: {  	[tilespmem:s14], [sflag:$0x3] =	stream.indirect.gather [spmem:s3], $0x80, s20, s19, $0xb8;
	[tilespmem:$0x12148] =	vst v63  }
0x27: {  	_ = 	snop  }
0x28: {  	[tilespmem:s10], [sflag:$0x2] =	stream.indirect.gather [hbm4b:s2+s19], $0x80, s19, s19, $0xb8;
	[tilespmem:$0x12148] =	vst v63  }
0x29: {  	_ = 	snop  }
0x2a: {  	[tilespmem:s11], [sflag:$0x4] =	stream.indirect.gather [spmem:s3], $0x80, s24, s19, $0xb8;
	[tilespmem:$0x12148] =	vst v63  }
0x2b: {  	_ =	swait.ge [sflag:s23], $0x4000  }
0x2c: {  	[sflag:s23] =	ssyncset.done $0x0  }
0x2d: {  	[sflag:s23] =	ssyncadd.s32 $0xFFFFC000  }
0x2e: {  	_ =	swait.ge [sflag:s21], $0x4000  }
0x2f: {  	[sflag:s21] =	ssyncset.done $0x0  }
0x30: {  	[sflag:s21] =	ssyncadd.s32 $0xFFFFC000  }
0x31: {  	[hbm4b:s6+s1] =	stream.linear.scatter [tilespmem:s13], [sflag:$0x5], $0x4000, $0x38;
	[tilespmem:$0x12148] =	vst v63  }
0x32: {  	_ = 	snop  }
0x33: {  	[hbm4b:s7+s1] =	stream.linear.scatter [tilespmem:s14], [sflag:$0x5], $0x4000, $0x38;
	[tilespmem:$0x12148] =	vst v63  }
0x34: {  	_ =	swait.ge [sflag:s17], $0x4000  }
0x35: {  	[sflag:s17] =	ssyncset.done $0x0  }
0x36: {  	[sflag:s17] =	ssyncadd.s32 $0xFFFFC000  }
0x37: {  	_ =	swait.ge [sflag:s15], $0x4000  }
0x38: {  	[sflag:s15] =	ssyncset.done $0x0  }
0x39: {  	[sflag:s15] =	ssyncadd.s32 $0xFFFFC000  }
0x3a: {  	[hbm4b:s4+s1] =	stream.linear.scatter [tilespmem:s10], [sflag:$0x6], $0x4000, $0x38;
	[tilespmem:$0x12148] =	vst v63  }
0x3b: {  	_ = 	snop  }
0x3c: {  	[hbm4b:s5+s1] =	stream.linear.scatter [tilespmem:s11], [sflag:$0x6], $0x4000, $0x38;
	[tilespmem:$0x12148] =	vst v63  }
0x3d: {  	_ =	swait.ge [sflag:s12], $0x4000  }
0x3e: {  	[sflag:s12] =	ssyncset.done $0x0  }
0x3f: {  	[sflag:s12] =	ssyncadd.s32 $0xFFFFC000  }
0x40: {  	_ =	swait.ge [sflag:s12], $0x4000  }
0x41: {  	s29 =	sadd.s32 $0xFFFFFFFF, s29;
	[sflag:s12] =	ssyncset.done $0x0  }
0x42: {  	p2 =	sne.s32 s29, $0x0;
	[sflag:s12] =	ssyncadd.s32 $0xFFFFC000  }
.Ltmp1:
0x43: {  	_ =	swait.ge [sflag:s9], $0x4000;
	(pc) =	sbr.rel @!p2 .LBB2_3-.Ltmp1, $4  }
0x44: {  	[sflag:s9] =	ssyncset.done $0x0  }
0x45: {  	[sflag:s9] =	ssyncadd.s32 $0xFFFFC000  }
0x46: {  	_ =	swait.ge [sflag:s9], $0x4000  }
0x47: {  	p1 =	por $0x1, $0x1;
	[sflag:s9] =	ssyncset.done $0x0  }
.LBB2_2:
0x48: {  	[sflag:s9] =	ssyncadd.s32 $0xFFFFC000  }
0x49: {  	[spmem:s25], [sflag:s26] =	dma.local @!p0 [hbm:s8], $0x3E90  }
0x4a: {  	s29 =	sadd.s32 $0xFFFFFFFF, s29;
	_ =	swait.ge @!p0 [sflag:s28], $0x3E90  }
0x4b: {  	p2 =	sne.s32 s29, $0x0;
	[sflag:s28] =	ssyncset.done @!p0 $0x0  }
0x4c: {  	[sflag:s28] =	ssyncadd.s32 @!p0 $0xFFFFC170  }
0x4d: {  	[tilespmem:s1], [sflag:$0x7] =	stream.linear.gather [hbm4b:s18+s1], $0x100, $0x38;
	[tilespmem:$0x12148] =	vst v63  }
0x4e: {  	_ =	swait.ge [sflag:s22], $0x100  }
0x4f: {  	[sflag:s22] =	ssyncset.done $0x0  }
0x50: {  	[sflag:s22] =	ssyncadd.s32 $0xFFFFFF00  }
0x51: {  	[tilespmem:s20], [sflag:$0x7] =	stream.linear.gather [hbm4b:s16+s1], $0x100, $0x38;
	[tilespmem:$0x12148] =	vst v63  }
0x52: {  	_ =	swait.ge [sflag:s22], $0x100  }
0x53: {  	[sflag:s22] =	ssyncset.done $0x0  }
0x54: {  	[sflag:s22] =	ssyncadd.s32 $0xFFFFFF00  }
0x55: {  	[bflag:$0x0] =	sbarrier.arrive $0xFFFF  }
0x56: {  	[tilespmem:s13], [sflag:$0x1] =	stream.indirect.gather [hbm4b:s2+s19], $0x80, s1, s19, $0xb8;
	[tilespmem:$0x12148] =	vst v63  }
0x57: {  	_ = 	snop  }
0x58: {  	[tilespmem:s14], [sflag:$0x3] =	stream.indirect.gather [spmem:s3], $0x80, s20, s19, $0xb8;
	[tilespmem:$0x12148] =	vst v63  }
0x59: {  	_ = 	snop  }
0x5a: {  	[tilespmem:s10], [sflag:$0x2] =	stream.indirect.gather [hbm4b:s2+s19], $0x80, s19, s19, $0xb8;
	[tilespmem:$0x12148] =	vst v63  }
0x5b: {  	_ = 	snop  }
0x5c: {  	[tilespmem:s11], [sflag:$0x4] =	stream.indirect.gather [spmem:s3], $0x80, s24, s19, $0xb8;
	[tilespmem:$0x12148] =	vst v63  }
0x5d: {  	_ =	swait.ge [sflag:s23], $0x4000  }
0x5e: {  	[sflag:s23] =	ssyncset.done $0x0  }
0x5f: {  	[sflag:s23] =	ssyncadd.s32 $0xFFFFC000  }
0x60: {  	_ =	swait.ge [sflag:s21], $0x4000  }
0x61: {  	[sflag:s21] =	ssyncset.done $0x0  }
0x62: {  	[sflag:s21] =	ssyncadd.s32 $0xFFFFC000  }
0x63: {  	[hbm4b:s6+s1] =	stream.linear.scatter [tilespmem:s13], [sflag:$0x5], $0x4000, $0x38;
	[tilespmem:$0x12148] =	vst v63  }
0x64: {  	_ = 	snop  }
0x65: {  	[hbm4b:s7+s1] =	stream.linear.scatter [tilespmem:s14], [sflag:$0x5], $0x4000, $0x38;
	[tilespmem:$0x12148] =	vst v63  }
0x66: {  	_ =	swait.ge [sflag:s17], $0x4000  }
0x67: {  	[sflag:s17] =	ssyncset.done $0x0  }
0x68: {  	[sflag:s17] =	ssyncadd.s32 $0xFFFFC000  }
0x69: {  	_ =	swait.ge [sflag:s15], $0x4000  }
0x6a: {  	[sflag:s15] =	ssyncset.done $0x0  }
0x6b: {  	[sflag:s15] =	ssyncadd.s32 $0xFFFFC000  }
0x6c: {  	[hbm4b:s4+s1] =	stream.linear.scatter [tilespmem:s10], [sflag:$0x6], $0x4000, $0x38;
	[tilespmem:$0x12148] =	vst v63  }
0x6d: {  	_ = 	snop  }
0x6e: {  	[hbm4b:s5+s1] =	stream.linear.scatter [tilespmem:s11], [sflag:$0x6], $0x4000, $0x38;
	[tilespmem:$0x12148] =	vst v63  }
0x6f: {  	_ =	swait.ge [sflag:s12], $0x4000  }
0x70: {  	[sflag:s12] =	ssyncset.done $0x0  }
0x71: {  	[sflag:s12] =	ssyncadd.s32 $0xFFFFC000  }
0x72: {  	_ =	swait.ge [sflag:s12], $0x4000  }
0x73: {  	[sflag:s12] =	ssyncset.done $0x0  }
0x74: {  	[sflag:s12] =	ssyncadd.s32 $0xFFFFC000  }
.Ltmp2:
0x75: {  	_ =	swait.ge [sflag:s9], $0x4000;
	(pc) =	sbr.rel @p2 .LBB2_2-.Ltmp2, $4  }
0x76: {  	[sflag:s9] =	ssyncset.done $0x0  }
0x77: {  	[sflag:s9] =	ssyncadd.s32 $0xFFFFC000  }
0x78: {  	_ =	swait.ge [sflag:s9], $0x4000  }
0x79: {  	[sflag:s9] =	ssyncset.done $0x0  }
.LBB2_3:
0x7a: {  	[sflag:s9] =	ssyncadd.s32 @p1 $0xFFFFC000;
	s26 =	simm.s32 @!p0 $0x1C07  }
0x7b: {  	[spmem:s25], [sflag:s26] =	dma.local @!p0 [hbm:s8], $0x3E90  }
0x7c: {  	s8 =	simm.s32 @!p0 $0x7  }
0x7d: {  	_ =	swait.ge @!p0 [sflag:s8], $0x3E90  }
0x7e: {  	[sflag:s8] =	ssyncset.done @!p0 $0x0  }
0x7f: {  	[sflag:s8] =	ssyncadd.s32 @!p0 $0xFFFFC170  }
0x80: {  	[tilespmem:s1], [sflag:$0x7] =	stream.linear.gather [hbm4b:s18+s1], $0x100, $0x38;
	[tilespmem:$0x12148] =	vst v63  }
0x81: {  	_ =	swait.ge [sflag:s22], $0x100  }
0x82: {  	[sflag:s22] =	ssyncset.done $0x0  }
0x83: {  	[sflag:s22] =	ssyncadd.s32 $0xFFFFFF00  }
0x84: {  	[tilespmem:s20], [sflag:$0x7] =	stream.linear.gather [hbm4b:s16+s1], $0x100, $0x38;
	[tilespmem:$0x12148] =	vst v63  }
0x85: {  	_ =	swait.ge [sflag:s22], $0x100  }
0x86: {  	[sflag:s22] =	ssyncset.done $0x0  }
0x87: {  	[sflag:s22] =	ssyncadd.s32 $0xFFFFFF00  }
0x88: {  	[bflag:$0x0] =	sbarrier.arrive $0xFFFF  }
0x89: {  	[tilespmem:s13], [sflag:$0x1] =	stream.indirect.gather [hbm4b:s2+s19], $0x80, s1, s19, $0xb8;
	[tilespmem:$0x12148] =	vst v63  }
0x8a: {  	_ = 	snop  }
0x8b: {  	[tilespmem:s14], [sflag:$0x3] =	stream.indirect.gather [spmem:s3], $0x80, s20, s19, $0xb8;
	[tilespmem:$0x12148] =	vst v63  }
0x8c: {  	_ = 	snop  }
0x8d: {  	[tilespmem:s10], [sflag:$0x2] =	stream.indirect.gather [hbm4b:s2+s19], $0x80, s19, s19, $0xb8;
	[tilespmem:$0x12148] =	vst v63  }
0x8e: {  	_ = 	snop  }
0x8f: {  	[tilespmem:s11], [sflag:$0x4] =	stream.indirect.gather [spmem:s3], $0x80, s24, s19, $0xb8;
	[tilespmem:$0x12148] =	vst v63  }
0x90: {  	_ =	swait.ge [sflag:s23], $0x4000  }
0x91: {  	[sflag:s23] =	ssyncset.done $0x0  }
0x92: {  	[sflag:s23] =	ssyncadd.s32 $0xFFFFC000  }
0x93: {  	_ =	swait.ge [sflag:s21], $0x4000  }
0x94: {  	[sflag:s21] =	ssyncset.done $0x0  }
0x95: {  	[sflag:s21] =	ssyncadd.s32 $0xFFFFC000  }
0x96: {  	[hbm4b:s6+s1] =	stream.linear.scatter [tilespmem:s13], [sflag:$0x5], $0x4000, $0x38;
	[tilespmem:$0x12148] =	vst v63  }
0x97: {  	_ = 	snop  }
0x98: {  	[hbm4b:s7+s1] =	stream.linear.scatter [tilespmem:s14], [sflag:$0x5], $0x4000, $0x38;
	[tilespmem:$0x12148] =	vst v63  }
0x99: {  	_ =	swait.ge [sflag:s17], $0x4000  }
0x9a: {  	[sflag:s17] =	ssyncset.done $0x0  }
0x9b: {  	[sflag:s17] =	ssyncadd.s32 $0xFFFFC000  }
0x9c: {  	_ =	swait.ge [sflag:s15], $0x4000  }
0x9d: {  	[sflag:s15] =	ssyncset.done $0x0  }
0x9e: {  	[sflag:s15] =	ssyncadd.s32 $0xFFFFC000  }
0x9f: {  	[hbm4b:s4+s1] =	stream.linear.scatter [tilespmem:s10], [sflag:$0x6], $0x4000, $0x38;
	[tilespmem:$0x12148] =	vst v63  }
0xa0: {  	_ = 	snop  }
0xa1: {  	[hbm4b:s5+s1] =	stream.linear.scatter [tilespmem:s11], [sflag:$0x6], $0x4000, $0x38;
	[tilespmem:$0x12148] =	vst v63  }
0xa2: {  	_ =	swait.ge [sflag:s12], $0x4000  }
0xa3: {  	[sflag:s12] =	ssyncset.done $0x0  }
0xa4: {  	[sflag:s12] =	ssyncadd.s32 $0xFFFFC000  }
0xa5: {  	_ =	swait.ge [sflag:s12], $0x4000  }
0xa6: {  	[sflag:s12] =	ssyncset.done $0x0  }
0xa7: {  	[sflag:s12] =	ssyncadd.s32 $0xFFFFC000  }
0xa8: {  	_ =	swait.ge [sflag:s9], $0x4000  }
0xa9: {  	[sflag:s9] =	ssyncset.done $0x0  }
0xaa: {  	[sflag:s9] =	ssyncadd.s32 $0xFFFFC000  }
0xab: {  	_ =	swait.ge [sflag:s9], $0x4000  }
0xac: {  	[sflag:s9] =	ssyncset.done $0x0  }
0xad: {  	[sflag:s9] =	ssyncadd.s32 $0xFFFFC000  }
0xae: {  	_ =	sfence.sel $0x180000  }
0xaf: {  	[bflag:$0x0] =	sbarrier.arrive $0xFFFF  }
0xb0: {  	_ =	strace $0x9000004A  }
0xb1: {  	s0 =	sadd.s32 @!p0 $0x100000, s0;
	[bflag:$0x2] =	sbarrier.arrive $0xFFFF  }
0xb2: {  	[sflag:s0] =	ssyncadd.tile.s32 @!p0 $0x1;
	_ =	shalt  }
.Lfunc_end2:
_tile_overlayer_lowered:
.L_overlay_start_2:
0xb3: {  	(tag) =	ssettag $0x2  }
0xb4: {  	s0 =	rddreg [dreg:$0x0];
	s2 =	stileid.u32  }
0xb5: {  	s1 =	rddreg [dreg:$0x1];
	p0 =	sne.s32 s2, $0x0  }
0xb6: {  	s3 =	rddreg [dreg:$0x2];
	[bflag:$0x3] =	sbarrier.arrive $0xFFFF;
	s2 =	simm.s32 @!p0 $0x1C07  }
0xb7: {  	[timem:s3], [sflag:s2] =	dma.local @!p0 [hbm:s0], s1  }
0xb8: {  	s0 =	simm.s32 @!p0 $0x7  }
0xb9: {  	_ =	swait.ge @!p0 [sflag:s0], s1  }
0xba: {  	s1 =	ssub.s32 @!p0 $0x0, s1;
	[sflag:s0] =	ssyncset.done @!p0 $0x0  }
0xbb: {  	[sflag:s0] =	ssyncadd.s32 @!p0 s1  }
0xbc: {  	[bflag:$0x3] =	sbarrier.arrive $0xFFFF  }
0xbd: {  	_ =	shalt  }

</sc_bundles>
